<compile_context>
chip_gen: v7x
topology: tpu7x:2x2x1
jax: 0.10.2.dev20260603
libtpu: 0.0.44.dev20260713+nightly
codegen_flags: <defaults>
</compile_context>

<pallas_src>
import functools

import numpy as np
import jax
import jax.numpy as jnp
from jax import lax
from jax.experimental import pallas as pl
from jax.experimental.pallas import tpu as pltpu
from jax.experimental.pallas import tpu_sc as plsc

_B = 4096
_NUMD = 13
_F = 26
_VOCAB = 100000
_D = 64


_NC = 2
_NS = 16
_NW = _NC * _NS
_TOT = _B * _F
_PER_W = _TOT // _NW
_RPT = 8
_NT = _F * _VOCAB // _RPT
_BLK = 32
_NBLK = _PER_W // _BLK

_sc_mesh = plsc.VectorSubcoreMesh(core_axis_name="c", subcore_axis_name="s")

_NCH = _PER_W // 128
_PAIRS = _F * _VOCAB // 2


@functools.partial(
    pl.kernel,
    mesh=_sc_mesh,
    out_type=jax.ShapeDtypeStruct((_TOT, 2 * _D), jnp.float32),
    scratch_types=[
        pltpu.VMEM((_NCH, 128), jnp.int32),
        pltpu.VMEM((128, 2 * _D), jnp.float32),
        pltpu.VMEM((128, 2 * _D), jnp.float32),
        pltpu.SemaphoreType.DMA,
        pltpu.SemaphoreType.DMA,
    ],
    compiler_params=pltpu.CompilerParams(use_tc_tiling_on_sc=True),
)
def _sc_gather(idx_hbm, table_hbm, out_hbm, idx_v, buf0, buf1, sem0, sem1):
    wid = lax.axis_index("s") * _NC + lax.axis_index("c")
    base = wid * _PER_W
    c0 = wid * _NCH
    pltpu.sync_copy(idx_hbm.at[wid], idx_v)

    def _chunk(r, buf, sem):
        f = (c0 + r) // (_B // 128)
        off = f * _VOCAB
        cps = []
        for g in range(8):
            vec = idx_v[r, pl.ds(g * 16, 16)] + off
            pvec = lax.shift_right_logical(vec, 1)
            cps.append(pltpu.async_copy(
                table_hbm.at[pvec], buf.at[pl.ds(g * 16, 16)], sem))
        return cps

    def _pair_body(p, carry):
        r0 = p * 2
        cps0 = _chunk(r0, buf0, sem0)
        cps1 = _chunk(r0 + 1, buf1, sem1)
        for cp in cps0:
            cp.wait()
        pltpu.sync_copy(buf0, out_hbm.at[pl.ds(base + r0 * 128, 128)])
        for cp in cps1:
            cp.wait()
        pltpu.sync_copy(buf1, out_hbm.at[pl.ds(base + (r0 + 1) * 128, 128)])
        return carry

    lax.fori_loop(0, _NCH // 2, _pair_body, 0)



_BS = 256
_NI = _F + 1
_INTER = _NI * (_NI - 1) // 2

_IMAP = np.full((_NI * _NI,), _INTER, np.int32)
for _i in range(1, _NI):
    for _j in range(_i):
        _IMAP[_i * _NI + _j] = _i * (_i - 1) // 2 + _j


def _tc_body(xv_ref, emb_ref, par_ref, bw0, bb0, bw1, bb1, bw2, bb2,
             w0z, w0d, tb0, tw1, tb1, tw2, tb2, tw3, tb3, out_ref):
    f32 = jnp.float32
    bf16 = jnp.bfloat16
    xv = xv_ref[...].astype(bf16)
    h = jnp.maximum(jnp.dot(xv, bw0[...], preferred_element_type=f32) + bb0[...], 0.0)
    h = jnp.maximum(jnp.dot(h.astype(bf16), bw1[...], preferred_element_type=f32) + bb1[...], 0.0)
    dense = jnp.maximum(jnp.dot(h.astype(bf16), bw2[...], preferred_element_type=f32) + bb2[...], 0.0)

    emb2 = emb_ref[...]
    odd = (par_ref[...][:, :, None] & 1) == 1
    emb = jnp.where(odd, emb2[:, :, _D:], emb2[:, :, :_D])
    t = jnp.concatenate([dense[None, :, :], emb], axis=0).astype(bf16)
    z = lax.dot_general(t, t, (((2,), (2,)), ((1,), (1,))),
                        preferred_element_type=f32)
    zf = z.reshape(_BS, _NI * _NI).astype(bf16)
    h = jnp.dot(zf, w0z[...], preferred_element_type=f32)
    h += jnp.dot(dense.astype(bf16), w0d[...], preferred_element_type=f32)
    h = jnp.maximum(h + tb0[...], 0.0)
    h = jnp.maximum(jnp.dot(h.astype(bf16), tw1[...], preferred_element_type=f32) + tb1[...], 0.0)
    h = jnp.maximum(jnp.dot(h.astype(bf16), tw2[...], preferred_element_type=f32) + tb2[...], 0.0)
    logit = jnp.dot(h.astype(bf16), tw3[...], preferred_element_type=f32) + tb3[...]
    out_ref[...] = jax.nn.sigmoid(logit)


def _full2d(shape):
    return pl.BlockSpec(shape, lambda i: (0, 0))


def kernel(Xi, Xv, emb_tables, bW0, bb0, bW1, bb1, bW2, bb2,
           tW0, tb0, tW1, tb1, tW2, tb2, tW3, tb3):
    xi32 = Xi.astype(jnp.int32)
    xiT = xi32.T
    idx3d = xiT.reshape(_NW, _PER_W // 128, 128)
    table_pairs = emb_tables.reshape(_PAIRS, 2 * _D)
    emb_flat = _sc_gather(idx3d, table_pairs)
    embT = emb_flat.reshape(_F, _B, 2 * _D)

    bf16 = jnp.bfloat16
    w0ext = jnp.concatenate(
        [tW0[:_INTER], jnp.zeros((1, tW0.shape[1]), tW0.dtype)], axis=0)
    w0z = w0ext[_IMAP].astype(bf16)
    w0d = tW0[_INTER:].astype(bf16)

    grid = (_B // _BS,)
    weights = [bW0.astype(bf16), bb0.reshape(1, -1),
               bW1.astype(bf16), bb1.reshape(1, -1),
               bW2.astype(bf16), bb2.reshape(1, -1),
               w0z, w0d, tb0.reshape(1, -1),
               tW1.astype(bf16), tb1.reshape(1, -1),
               tW2.astype(bf16), tb2.reshape(1, -1),
               tW3.astype(bf16), tb3.reshape(1, -1)]
    w_specs = [_full2d(w.shape) for w in weights]
    out = pl.pallas_call(
        _tc_body,
        grid=grid,
        in_specs=[
            pl.BlockSpec((_BS, _NUMD), lambda i: (i, 0)),
            pl.BlockSpec((_F, _BS, 2 * _D), lambda i: (0, i, 0)),
            pl.BlockSpec((_F, _BS), lambda i: (0, i)),
            *w_specs,
        ],
        out_specs=pl.BlockSpec((_BS, 1), lambda i: (i, 0)),
        out_shape=jax.ShapeDtypeStruct((_B, 1), jnp.float32),
    )(Xv, embT, xiT, *weights)
    return out

# --- scband reference (transcript-rebuilt; emitter-appended) ---
"""Pipeline reference for scband-dlrm-20779051778716 (READ-ONLY COPY).

The authoritative reference and input builder live on the scoring server;
editing this copy changes nothing except your own understanding.
"""

import jax, jax.numpy as jnp
import numpy as np

B = 4096
NUM = 13
F = 26
VOCAB = 100000
D = 64
BOTTOM = [512, 256]
TOP = [1024, 512, 256]
INTER = (F + 1) * F // 2  # 351 pairwise dot interactions (lower triangle, no diag)
TOP_IN = INTER + D        # 415


def _dense_params(key, dims):
    params = []
    for i in range(len(dims) - 1):
        k1, key = jax.random.split(key)
        scale = 1.0 / np.sqrt(dims[i])
        params.append(jax.random.normal(k1, (dims[i], dims[i + 1]), dtype=jnp.float32) * scale)
        params.append(jnp.zeros((dims[i + 1],), dtype=jnp.float32))
    return params


def setup_inputs(seed: int = 0):
    key = jax.random.key(seed)
    k_xi, k_xv, k_emb, k_bot, k_top = jax.random.split(key, 5)
    Xi = jax.random.randint(k_xi, (B, F), 0, VOCAB)
    Xv = jax.random.normal(k_xv, (B, NUM), dtype=jnp.float32)
    emb_tables = jax.random.normal(k_emb, (F, VOCAB, D), dtype=jnp.float32) * 0.01
    bot = _dense_params(k_bot, [NUM] + BOTTOM + [D])
    top = _dense_params(k_top, [TOP_IN] + TOP + [1])
    return {
        "Xi": Xi, "Xv": Xv, "emb_tables": emb_tables,
        "bW0": bot[0], "bb0": bot[1], "bW1": bot[2], "bb1": bot[3], "bW2": bot[4], "bb2": bot[5],
        "tW0": top[0], "tb0": top[1], "tW1": top[2], "tb1": top[3],
        "tW2": top[4], "tb2": top[5], "tW3": top[6], "tb3": top[7],
    }


def reference(Xi, Xv, emb_tables, bW0, bb0, bW1, bb1, bW2, bb2,
              tW0, tb0, tW1, tb1, tW2, tb2, tW3, tb3):
    # sparse embedding lookup: one table per sparse field -> [B, F, D]
    emb = emb_tables[jnp.arange(F)[None, :], Xi]
    # bottom MLP on 13 dense features -> dense embedding [B, D]
    h = jax.nn.relu(Xv @ bW0 + bb0)
    h = jax.nn.relu(h @ bW1 + bb1)
    dense_emb = jax.nn.relu(h @ bW2 + bb2)
    # dot-product feature interaction over (dense_emb + 26 sparse embs)
    T = jnp.concatenate([dense_emb[:, None, :], emb], axis=1)  # [B, F+1, D]
    Z = jnp.einsum('bid,bjd->bij', T, T)
    li, lj = jnp.tril_indices(F + 1, -1)
    inter = Z[:, li, lj]  # [B, INTER]
    # top MLP
    x = jnp.concatenate([inter, dense_emb], axis=1)  # [B, TOP_IN]
    x = jax.nn.relu(x @ tW0 + tb0)
    x = jax.nn.relu(x @ tW1 + tb1)
    x = jax.nn.relu(x @ tW2 + tb2)
    out = jax.nn.sigmoid(x @ tW3 + tb3)  # [B, 1]
    return out

if __name__ == "__main__":
    import jax
    _d = setup_inputs()
    print(jax.jit(kernel)(*tuple(_d.values())))

</pallas_src>

<mosaic_0001>
#map = affine_map<(d0, d1) -> (0, 0, 0)>
#map1 = affine_map<(d0, d1) -> (0, 0)>
module attributes {stable_mosaic.version = 14 : i64} {
  func.func @_sc_gather(%arg0: i32, %arg1: i32, %arg2: memref<32x26x128xi32, #tpu.memory_space<hbm>>, %arg3: memref<1300000x128xf32, #tpu.memory_space<hbm>>, %arg4: memref<106496x128xf32, #tpu.memory_space<hbm>>, %arg5: memref<26x128xi32, #tpu.memory_space<vmem>>, %arg6: memref<128x128xf32, #tpu.memory_space<vmem>>, %arg7: memref<128x128xf32, #tpu.memory_space<vmem>>, %arg8: memref<!tpu.dma_semaphore, #tpu.memory_space<semaphore_mem>>, %arg9: memref<!tpu.dma_semaphore, #tpu.memory_space<semaphore_mem>>) attributes {dimension_semantics = [#tpu.dimension_semantics<core_parallel>, #tpu.dimension_semantics<subcore_parallel>], iteration_bounds = array<i64: 2, 16>, scalar_prefetch = 0 : i64, scratch_operands = 5 : i64, tpu.core_type = #tpu.core_type<sc_vector_subcore>, window_params = [{transform_indices = #map}, {transform_indices = #map1}, {transform_indices = #map1}]} {
    %mul3A = arith.constant 2 : i32
    %mul3A_0 = arith.muli %arg1, %mul3A : i32
    %add3A = arith.addi %mul3A_0, %arg0 : i32
    %mul3A_1 = arith.constant 3328 : i32
    %mul3A_2 = arith.muli %add3A, %mul3A_1 : i32
    %mul3A_3 = arith.constant 26 : i32
    %mul3A_4 = arith.muli %add3A, %mul3A_3 : i32
    "tpu.region"() ({
      %run_scoped3A = tpu.sem_alloc : memref<!tpu.dma_semaphore, #tpu.memory_space<semaphore_mem>>
      %dma_start3A = arith.constant 0 : i32
      %dma_start3A_10 = arith.constant 0 : i32
      %dma_start3A_11 = tpu.memref_slice %arg2[%add3A, %dma_start3A, %dma_start3A_10] : memref<32x26x128xi32, #tpu.memory_space<hbm>> -> memref<1x26x128xi32, #tpu.memory_space<hbm>>
      %dma_start3A_12 = tpu.memref_squeeze %dma_start3A_11 : memref<1x26x128xi32, #tpu.memory_space<hbm>> -> memref<26x128xi32, #tpu.memory_space<hbm>>
      %dma_start3A_13 = arith.constant 0 : i32
      %dma_start3A_14 = arith.constant 0 : i32
      %dma_start3A_15 = tpu.memref_slice %arg2[%add3A, %dma_start3A_13, %dma_start3A_14] : memref<32x26x128xi32, #tpu.memory_space<hbm>> -> memref<1x26x128xi32, #tpu.memory_space<hbm>>
      %dma_start3A_16 = tpu.memref_squeeze %dma_start3A_15 : memref<1x26x128xi32, #tpu.memory_space<hbm>> -> memref<26x128xi32, #tpu.memory_space<hbm>>
      tpu.enqueue_dma source(%dma_start3A_16 : memref<26x128xi32, #tpu.memory_space<hbm>>) target(%arg5 : memref<26x128xi32, #tpu.memory_space<vmem>>) target_semaphore(%run_scoped3A : memref<!tpu.dma_semaphore, #tpu.memory_space<semaphore_mem>>)
      %dma_wait3A = arith.constant 0 : i32
      %dma_wait3A_17 = arith.constant 0 : i32
      %dma_wait3A_18 = tpu.memref_slice %arg2[%add3A, %dma_wait3A, %dma_wait3A_17] : memref<32x26x128xi32, #tpu.memory_space<hbm>> -> memref<1x26x128xi32, #tpu.memory_space<hbm>>
      %dma_wait3A_19 = tpu.memref_squeeze %dma_wait3A_18 : memref<1x26x128xi32, #tpu.memory_space<hbm>> -> memref<26x128xi32, #tpu.memory_space<hbm>>
      %dma_wait3A_20 = arith.constant 0 : i32
      %dma_wait3A_21 = arith.constant 0 : i32
      %dma_wait3A_22 = tpu.memref_slice %arg2[%add3A, %dma_wait3A_20, %dma_wait3A_21] : memref<32x26x128xi32, #tpu.memory_space<hbm>> -> memref<1x26x128xi32, #tpu.memory_space<hbm>>
      %dma_wait3A_23 = tpu.memref_squeeze %dma_wait3A_22 : memref<1x26x128xi32, #tpu.memory_space<hbm>> -> memref<26x128xi32, #tpu.memory_space<hbm>>
      tpu.wait_dma2 semaphore(%run_scoped3A : memref<!tpu.dma_semaphore, #tpu.memory_space<semaphore_mem>>) src(%dma_wait3A_23 : memref<26x128xi32, #tpu.memory_space<hbm>>) dst(%arg5 : memref<26x128xi32, #tpu.memory_space<vmem>>)
      tpu.yield
    }) : () -> ()
    %scan3A = arith.constant 0 : i32
    %scan3A_5 = arith.constant 0 : i32
    %scan3A_6 = arith.constant 13 : i32
    %scan3A_7 = arith.addi %scan3A_5, %scan3A_6 : i32
    %scan3A_8 = arith.constant 1 : i32
    scf.for %scan3A_10 = %scan3A_5 to %scan3A_7 step %scan3A_8  : i32 {
      %mul3A_11 = arith.constant 2 : i32
      %mul3A_12 = arith.muli %scan3A_10, %mul3A_11 : i32
      %add3A_13 = arith.addi %mul3A_4, %mul3A_12 : i32
      %jit3A = arith.constant 32 : i32
      %div3A = arith.divsi %add3A_13, %jit3A : i32
      %sign3A = arith.constant 0 : i32
      %sign3A_14 = arith.cmpi sgt, %add3A_13, %sign3A : i32
      %sign3A_15 = arith.extui %sign3A_14 : i1 to i32
      %sign3A_16 = arith.constant 0 : i32
      %sign3A_17 = arith.cmpi slt, %add3A_13, %sign3A_16 : i32
      %sign3A_18 = arith.extui %sign3A_17 : i1 to i32
      %sign3A_19 = arith.subi %sign3A_15, %sign3A_18 : i32
      %sign3A_20 = arith.constant 0 : i32
      %sign3A_21 = arith.cmpi sgt, %jit3A, %sign3A_20 : i32
      %sign3A_22 = arith.extui %sign3A_21 : i1 to i32
      %sign3A_23 = arith.constant 0 : i32
      %sign3A_24 = arith.cmpi slt, %jit3A, %sign3A_23 : i32
      %sign3A_25 = arith.extui %sign3A_24 : i1 to i32
      %sign3A_26 = arith.subi %sign3A_22, %sign3A_25 : i32
      %ne3A = arith.cmpi ne, %sign3A_19, %sign3A_26 : i32
      %rem3A = arith.remsi %add3A_13, %jit3A : i32
      %ne3A_27 = arith.constant 0 : i32
      %ne3A_28 = arith.cmpi ne, %rem3A, %ne3A_27 : i32
      %and3A = arith.andi %ne3A, %ne3A_28 : i1
      %sub3A = arith.constant 1 : i32
      %sub3A_29 = arith.subi %div3A, %sub3A : i32
      %select_n3A = arith.select %and3A, %sub3A_29, %div3A : i32
      %mul3A_30 = arith.constant 100000 : i32
      %mul3A_31 = arith.muli %select_n3A, %mul3A_30 : i32
      %get3A = arith.index_cast %mul3A_12 : i32 to index
      %get3A_32 = arith.constant 0 : index
      %get3A_33 = tpu.vector_load %arg5[%get3A, %get3A_32] {strides = array<i32>} : memref<26x128xi32, #tpu.memory_space<vmem>>, vector<1x16xi32>,
      %get3A_34 = vector.shape_cast %get3A_33 : vector<1x16xi32> to vector<16xi32>
      %add3A_35 = vector.broadcast %mul3A_31 : i32 to vector<16xi32>
      %add3A_36 = arith.addi %get3A_34, %add3A_35 : vector<16xi32>
      %shift_right_logical3A = arith.constant 1 : i32
      %shift_right_logical3A_37 = vector.broadcast %shift_right_logical3A : i32 to vector<16xi32>
      %shift_right_logical3A_38 = arith.shrui %add3A_36, %shift_right_logical3A_37 : vector<16xi32>
      %dma_start3A = arith.constant 0 : i32
      %dma_start3A_39 = arith.constant 0 : i32
      %dma_start3A_40 = tpu.memref_slice %arg6[%dma_start3A, %dma_start3A_39] : memref<128x128xf32, #tpu.memory_space<vmem>> -> memref<16x128xf32, #tpu.memory_space<vmem>>
      %dma_start3A_41 = arith.constant 0 : i32
      %dma_start3A_42 = arith.constant 0 : i32
      %dma_start3A_43 = tpu.memref_slice %arg3[%dma_start3A_41, %dma_start3A_42] : memref<1300000x128xf32, #tpu.memory_space<hbm>> -> memref<1300000x128xf32, #tpu.memory_space<hbm>>
      tpu.enqueue_indirect_dma source(%dma_start3A_43 : memref<1300000x128xf32, #tpu.memory_space<hbm>>) target(%dma_start3A_40 : memref<16x128xf32, #tpu.memory_space<vmem>>) offsets(%shift_right_logical3A_38 : vector<16xi32>) semaphore(%arg8 : memref<!tpu.dma_semaphore, #tpu.memory_space<semaphore_mem>>)
      %get3A_44 = arith.index_cast %mul3A_12 : i32 to index
      %get3A_45 = arith.constant 16 : index
      %get3A_46 = tpu.vector_load %arg5[%get3A_44, %get3A_45] {strides = array<i32>} : memref<26x128xi32, #tpu.memory_space<vmem>>, vector<1x16xi32>,
      %get3A_47 = vector.shape_cast %get3A_46 : vector<1x16xi32> to vector<16xi32>
      %add3A_48 = vector.broadcast %mul3A_31 : i32 to vector<16xi32>
      %add3A_49 = arith.addi %get3A_47, %add3A_48 : vector<16xi32>
      %shift_right_logical3A_50 = arith.constant 1 : i32
      %shift_right_logical3A_51 = vector.broadcast %shift_right_logical3A_50 : i32 to vector<16xi32>
      %shift_right_logical3A_52 = arith.shrui %add3A_49, %shift_right_logical3A_51 : vector<16xi32>
      %dma_start3A_53 = arith.constant 16 : i32
      %dma_start3A_54 = arith.constant 0 : i32
      %dma_start3A_55 = tpu.memref_slice %arg6[%dma_start3A_53, %dma_start3A_54] : memref<128x128xf32, #tpu.memory_space<vmem>> -> memref<16x128xf32, #tpu.memory_space<vmem>>
      %dma_start3A_56 = arith.constant 0 : i32
      %dma_start3A_57 = arith.constant 0 : i32
      %dma_start3A_58 = tpu.memref_slice %arg3[%dma_start3A_56, %dma_start3A_57] : memref<1300000x128xf32, #tpu.memory_space<hbm>> -> memref<1300000x128xf32, #tpu.memory_space<hbm>>
      tpu.enqueue_indirect_dma source(%dma_start3A_58 : memref<1300000x128xf32, #tpu.memory_space<hbm>>) target(%dma_start3A_55 : memref<16x128xf32, #tpu.memory_space<vmem>>) offsets(%shift_right_logical3A_52 : vector<16xi32>) semaphore(%arg8 : memref<!tpu.dma_semaphore, #tpu.memory_space<semaphore_mem>>)
      %get3A_59 = arith.index_cast %mul3A_12 : i32 to index
      %get3A_60 = arith.constant 32 : index
      %get3A_61 = tpu.vector_load %arg5[%get3A_59, %get3A_60] {strides = array<i32>} : memref<26x128xi32, #tpu.memory_space<vmem>>, vector<1x16xi32>,
      %get3A_62 = vector.shape_cast %get3A_61 : vector<1x16xi32> to vector<16xi32>
      %add3A_63 = vector.broadcast %mul3A_31 : i32 to vector<16xi32>
      %add3A_64 = arith.addi %get3A_62, %add3A_63 : vector<16xi32>
      %shift_right_logical3A_65 = arith.constant 1 : i32
      %shift_right_logical3A_66 = vector.broadcast %shift_right_logical3A_65 : i32 to vector<16xi32>
      %shift_right_logical3A_67 = arith.shrui %add3A_64, %shift_right_logical3A_66 : vector<16xi32>
      %dma_start3A_68 = arith.constant 32 : i32
      %dma_start3A_69 = arith.constant 0 : i32
      %dma_start3A_70 = tpu.memref_slice %arg6[%dma_start3A_68, %dma_start3A_69] : memref<128x128xf32, #tpu.memory_space<vmem>> -> memref<16x128xf32, #tpu.memory_space<vmem>>
      %dma_start3A_71 = arith.constant 0 : i32
      %dma_start3A_72 = arith.constant 0 : i32
      %dma_start3A_73 = tpu.memref_slice %arg3[%dma_start3A_71, %dma_start3A_72] : memref<1300000x128xf32, #tpu.memory_space<hbm>> -> memref<1300000x128xf32, #tpu.memory_space<hbm>>
      tpu.enqueue_indirect_dma source(%dma_start3A_73 : memref<1300000x128xf32, #tpu.memory_space<hbm>>) target(%dma_start3A_70 : memref<16x128xf32, #tpu.memory_space<vmem>>) offsets(%shift_right_logical3A_67 : vector<16xi32>) semaphore(%arg8 : memref<!tpu.dma_semaphore, #tpu.memory_space<semaphore_mem>>)
      %get3A_74 = arith.index_cast %mul3A_12 : i32 to index
      %get3A_75 = arith.constant 48 : index
      %get3A_76 = tpu.vector_load %arg5[%get3A_74, %get3A_75] {strides = array<i32>} : memref<26x128xi32, #tpu.memory_space<vmem>>, vector<1x16xi32>,
      %get3A_77 = vector.shape_cast %get3A_76 : vector<1x16xi32> to vector<16xi32>
      %add3A_78 = vector.broadcast %mul3A_31 : i32 to vector<16xi32>
      %add3A_79 = arith.addi %get3A_77, %add3A_78 : vector<16xi32>
      %shift_right_logical3A_80 = arith.constant 1 : i32
      %shift_right_logical3A_81 = vector.broadcast %shift_right_logical3A_80 : i32 to vector<16xi32>
      %shift_right_logical3A_82 = arith.shrui %add3A_79, %shift_right_logical3A_81 : vector<16xi32>
      %dma_start3A_83 = arith.constant 48 : i32
      %dma_start3A_84 = arith.constant 0 : i32
      %dma_start3A_85 = tpu.memref_slice %arg6[%dma_start3A_83, %dma_start3A_84] : memref<128x128xf32, #tpu.memory_space<vmem>> -> memref<16x128xf32, #tpu.memory_space<vmem>>
      %dma_start3A_86 = arith.constant 0 : i32
      %dma_start3A_87 = arith.constant 0 : i32
      %dma_start3A_88 = tpu.memref_slice %arg3[%dma_start3A_86, %dma_start3A_87] : memref<1300000x128xf32, #tpu.memory_space<hbm>> -> memref<1300000x128xf32, #tpu.memory_space<hbm>>
      tpu.enqueue_indirect_dma source(%dma_start3A_88 : memref<1300000x128xf32, #tpu.memory_space<hbm>>) target(%dma_start3A_85 : memref<16x128xf32, #tpu.memory_space<vmem>>) offsets(%shift_right_logical3A_82 : vector<16xi32>) semaphore(%arg8 : memref<!tpu.dma_semaphore, #tpu.memory_space<semaphore_mem>>)
      %get3A_89 = arith.index_cast %mul3A_12 : i32 to index
      %get3A_90 = arith.constant 64 : index
      %get3A_91 = tpu.vector_load %arg5[%get3A_89, %get3A_90] {strides = array<i32>} : memref<26x128xi32, #tpu.memory_space<vmem>>, vector<1x16xi32>,
      %get3A_92 = vector.shape_cast %get3A_91 : vector<1x16xi32> to vector<16xi32>
      %add3A_93 = vector.broadcast %mul3A_31 : i32 to vector<16xi32>
      %add3A_94 = arith.addi %get3A_92, %add3A_93 : vector<16xi32>
      %shift_right_logical3A_95 = arith.constant 1 : i32
      %shift_right_logical3A_96 = vector.broadcast %shift_right_logical3A_95 : i32 to vector<16xi32>
      %shift_right_logical3A_97 = arith.shrui %add3A_94, %shift_right_logical3A_96 : vector<16xi32>
      %dma_start3A_98 = arith.constant 64 : i32
      %dma_start3A_99 = arith.constant 0 : i32
      %dma_start3A_100 = tpu.memref_slice %arg6[%dma_start3A_98, %dma_start3A_99] : memref<128x128xf32, #tpu.memory_space<vmem>> -> memref<16x128xf32, #tpu.memory_space<vmem>>
      %dma_start3A_101 = arith.constant 0 : i32
      %dma_start3A_102 = arith.constant 0 : i32
      %dma_start3A_103 = tpu.memref_slice %arg3[%dma_start3A_101, %dma_start3A_102] : memref<1300000x128xf32, #tpu.memory_space<hbm>> -> memref<1300000x128xf32, #tpu.memory_space<hbm>>
      tpu.enqueue_indirect_dma source(%dma_start3A_103 : memref<1300000x128xf32, #tpu.memory_space<hbm>>) target(%dma_start3A_100 : memref<16x128xf32, #tpu.memory_space<vmem>>) offsets(%shift_right_logical3A_97 : vector<16xi32>) semaphore(%arg8 : memref<!tpu.dma_semaphore, #tpu.memory_space<semaphore_mem>>)
      %get3A_104 = arith.index_cast %mul3A_12 : i32 to index
      %get3A_105 = arith.constant 80 : index
      %get3A_106 = tpu.vector_load %arg5[%get3A_104, %get3A_105] {strides = array<i32>} : memref<26x128xi32, #tpu.memory_space<vmem>>, vector<1x16xi32>,
      %get3A_107 = vector.shape_cast %get3A_106 : vector<1x16xi32> to vector<16xi32>
      %add3A_108 = vector.broadcast %mul3A_31 : i32 to vector<16xi32>
      %add3A_109 = arith.addi %get3A_107, %add3A_108 : vector<16xi32>
      %shift_right_logical3A_110 = arith.constant 1 : i32
      %shift_right_logical3A_111 = vector.broadcast %shift_right_logical3A_110 : i32 to vector<16xi32>
      %shift_right_logical3A_112 = arith.shrui %add3A_109, %shift_right_logical3A_111 : vector<16xi32>
      %dma_start3A_113 = arith.constant 80 : i32
      %dma_start3A_114 = arith.constant 0 : i32
      %dma_start3A_115 = tpu.memref_slice %arg6[%dma_start3A_113, %dma_start3A_114] : memref<128x128xf32, #tpu.memory_space<vmem>> -> memref<16x128xf32, #tpu.memory_space<vmem>>
      %dma_start3A_116 = arith.constant 0 : i32
      %dma_start3A_117 = arith.constant 0 : i32
      %dma_start3A_118 = tpu.memref_slice %arg3[%dma_start3A_116, %dma_start3A_117] : memref<1300000x128xf32, #tpu.memory_space<hbm>> -> memref<1300000x128xf32, #tpu.memory_space<hbm>>
      tpu.enqueue_indirect_dma source(%dma_start3A_118 : memref<1300000x128xf32, #tpu.memory_space<hbm>>) target(%dma_start3A_115 : memref<16x128xf32, #tpu.memory_space<vmem>>) offsets(%shift_right_logical3A_112 : vector<16xi32>) semaphore(%arg8 : memref<!tpu.dma_semaphore, #tpu.memory_space<semaphore_mem>>)
      %get3A_119 = arith.index_cast %mul3A_12 : i32 to index
      %get3A_120 = arith.constant 96 : index
      %get3A_121 = tpu.vector_load %arg5[%get3A_119, %get3A_120] {strides = array<i32>} : memref<26x128xi32, #tpu.memory_space<vmem>>, vector<1x16xi32>,
      %get3A_122 = vector.shape_cast %get3A_121 : vector<1x16xi32> to vector<16xi32>
      %add3A_123 = vector.broadcast %mul3A_31 : i32 to vector<16xi32>
      %add3A_124 = arith.addi %get3A_122, %add3A_123 : vector<16xi32>
      %shift_right_logical3A_125 = arith.constant 1 : i32
      %shift_right_logical3A_126 = vector.broadcast %shift_right_logical3A_125 : i32 to vector<16xi32>
      %shift_right_logical3A_127 = arith.shrui %add3A_124, %shift_right_logical3A_126 : vector<16xi32>
      %dma_start3A_128 = arith.constant 96 : i32
      %dma_start3A_129 = arith.constant 0 : i32
      %dma_start3A_130 = tpu.memref_slice %arg6[%dma_start3A_128, %dma_start3A_129] : memref<128x128xf32, #tpu.memory_space<vmem>> -> memref<16x128xf32, #tpu.memory_space<vmem>>
      %dma_start3A_131 = arith.constant 0 : i32
      %dma_start3A_132 = arith.constant 0 : i32
      %dma_start3A_133 = tpu.memref_slice %arg3[%dma_start3A_131, %dma_start3A_132] : memref<1300000x128xf32, #tpu.memory_space<hbm>> -> memref<1300000x128xf32, #tpu.memory_space<hbm>>
      tpu.enqueue_indirect_dma source(%dma_start3A_133 : memref<1300000x128xf32, #tpu.memory_space<hbm>>) target(%dma_start3A_130 : memref<16x128xf32, #tpu.memory_space<vmem>>) offsets(%shift_right_logical3A_127 : vector<16xi32>) semaphore(%arg8 : memref<!tpu.dma_semaphore, #tpu.memory_space<semaphore_mem>>)
      %get3A_134 = arith.index_cast %mul3A_12 : i32 to index
      %get3A_135 = arith.constant 112 : index
      %get3A_136 = tpu.vector_load %arg5[%get3A_134, %get3A_135] {strides = array<i32>} : memref<26x128xi32, #tpu.memory_space<vmem>>, vector<1x16xi32>,
      %get3A_137 = vector.shape_cast %get3A_136 : vector<1x16xi32> to vector<16xi32>
      %add3A_138 = vector.broadcast %mul3A_31 : i32 to vector<16xi32>
      %add3A_139 = arith.addi %get3A_137, %add3A_138 : vector<16xi32>
      %shift_right_logical3A_140 = arith.constant 1 : i32
      %shift_right_logical3A_141 = vector.broadcast %shift_right_logical3A_140 : i32 to vector<16xi32>
      %shift_right_logical3A_142 = arith.shrui %add3A_139, %shift_right_logical3A_141 : vector<16xi32>
      %dma_start3A_143 = arith.constant 112 : i32
      %dma_start3A_144 = arith.constant 0 : i32
      %dma_start3A_145 = tpu.memref_slice %arg6[%dma_start3A_143, %dma_start3A_144] : memref<128x128xf32, #tpu.memory_space<vmem>> -> memref<16x128xf32, #tpu.memory_space<vmem>>
      %dma_start3A_146 = arith.constant 0 : i32
      %dma_start3A_147 = arith.constant 0 : i32
      %dma_start3A_148 = tpu.memref_slice %arg3[%dma_start3A_146, %dma_start3A_147] : memref<1300000x128xf32, #tpu.memory_space<hbm>> -> memref<1300000x128xf32, #tpu.memory_space<hbm>>
      tpu.enqueue_indirect_dma source(%dma_start3A_148 : memref<1300000x128xf32, #tpu.memory_space<hbm>>) target(%dma_start3A_145 : memref<16x128xf32, #tpu.memory_space<vmem>>) offsets(%shift_right_logical3A_142 : vector<16xi32>) semaphore(%arg8 : memref<!tpu.dma_semaphore, #tpu.memory_space<semaphore_mem>>)
      %add3A_149 = arith.constant 1 : i32
      %add3A_150 = arith.addi %mul3A_12, %add3A_149 : i32
      %add3A_151 = arith.addi %mul3A_4, %add3A_150 : i32
      %jit3A_152 = arith.constant 32 : i32
      %div3A_153 = arith.divsi %add3A_151, %jit3A_152 : i32
      %sign3A_154 = arith.constant 0 : i32
      %sign3A_155 = arith.cmpi sgt, %add3A_151, %sign3A_154 : i32
      %sign3A_156 = arith.extui %sign3A_155 : i1 to i32
      %sign3A_157 = arith.constant 0 : i32
      %sign3A_158 = arith.cmpi slt, %add3A_151, %sign3A_157 : i32
      %sign3A_159 = arith.extui %sign3A_158 : i1 to i32
      %sign3A_160 = arith.subi %sign3A_156, %sign3A_159 : i32
      %sign3A_161 = arith.constant 0 : i32
      %sign3A_162 = arith.cmpi sgt, %jit3A_152, %sign3A_161 : i32
      %sign3A_163 = arith.extui %sign3A_162 : i1 to i32
      %sign3A_164 = arith.constant 0 : i32
      %sign3A_165 = arith.cmpi slt, %jit3A_152, %sign3A_164 : i32
      %sign3A_166 = arith.extui %sign3A_165 : i1 to i32
      %sign3A_167 = arith.subi %sign3A_163, %sign3A_166 : i32
      %ne3A_168 = arith.cmpi ne, %sign3A_160, %sign3A_167 : i32
      %rem3A_169 = arith.remsi %add3A_151, %jit3A_152 : i32
      %ne3A_170 = arith.constant 0 : i32
      %ne3A_171 = arith.cmpi ne, %rem3A_169, %ne3A_170 : i32
      %and3A_172 = arith.andi %ne3A_168, %ne3A_171 : i1
      %sub3A_173 = arith.constant 1 : i32
      %sub3A_174 = arith.subi %div3A_153, %sub3A_173 : i32
      %select_n3A_175 = arith.select %and3A_172, %sub3A_174, %div3A_153 : i32
      %mul3A_176 = arith.constant 100000 : i32
      %mul3A_177 = arith.muli %select_n3A_175, %mul3A_176 : i32
      %get3A_178 = arith.index_cast %add3A_150 : i32 to index
      %get3A_179 = arith.constant 0 : index
      %get3A_180 = tpu.vector_load %arg5[%get3A_178, %get3A_179] {strides = array<i32>} : memref<26x128xi32, #tpu.memory_space<vmem>>, vector<1x16xi32>,
      %get3A_181 = vector.shape_cast %get3A_180 : vector<1x16xi32> to vector<16xi32>
      %add3A_182 = vector.broadcast %mul3A_177 : i32 to vector<16xi32>
      %add3A_183 = arith.addi %get3A_181, %add3A_182 : vector<16xi32>
      %shift_right_logical3A_184 = arith.constant 1 : i32
      %shift_right_logical3A_185 = vector.broadcast %shift_right_logical3A_184 : i32 to vector<16xi32>
      %shift_right_logical3A_186 = arith.shrui %add3A_183, %shift_right_logical3A_185 : vector<16xi32>
      %dma_start3A_187 = arith.constant 0 : i32
      %dma_start3A_188 = arith.constant 0 : i32
      %dma_start3A_189 = tpu.memref_slice %arg7[%dma_start3A_187, %dma_start3A_188] : memref<128x128xf32, #tpu.memory_space<vmem>> -> memref<16x128xf32, #tpu.memory_space<vmem>>
      %dma_start3A_190 = arith.constant 0 : i32
      %dma_start3A_191 = arith.constant 0 : i32
      %dma_start3A_192 = tpu.memref_slice %arg3[%dma_start3A_190, %dma_start3A_191] : memref<1300000x128xf32, #tpu.memory_space<hbm>> -> memref<1300000x128xf32, #tpu.memory_space<hbm>>
      tpu.enqueue_indirect_dma source(%dma_start3A_192 : memref<1300000x128xf32, #tpu.memory_space<hbm>>) target(%dma_start3A_189 : memref<16x128xf32, #tpu.memory_space<vmem>>) offsets(%shift_right_logical3A_186 : vector<16xi32>) semaphore(%arg9 : memref<!tpu.dma_semaphore, #tpu.memory_space<semaphore_mem>>)
      %get3A_193 = arith.index_cast %add3A_150 : i32 to index
      %get3A_194 = arith.constant 16 : index
      %get3A_195 = tpu.vector_load %arg5[%get3A_193, %get3A_194] {strides = array<i32>} : memref<26x128xi32, #tpu.memory_space<vmem>>, vector<1x16xi32>,
      %get3A_196 = vector.shape_cast %get3A_195 : vector<1x16xi32> to vector<16xi32>
      %add3A_197 = vector.broadcast %mul3A_177 : i32 to vector<16xi32>
      %add3A_198 = arith.addi %get3A_196, %add3A_197 : vector<16xi32>
      %shift_right_logical3A_199 = arith.constant 1 : i32
      %shift_right_logical3A_200 = vector.broadcast %shift_right_logical3A_199 : i32 to vector<16xi32>
      %shift_right_logical3A_201 = arith.shrui %add3A_198, %shift_right_logical3A_200 : vector<16xi32>
      %dma_start3A_202 = arith.constant 16 : i32
      %dma_start3A_203 = arith.constant 0 : i32
      %dma_start3A_204 = tpu.memref_slice %arg7[%dma_start3A_202, %dma_start3A_203] : memref<128x128xf32, #tpu.memory_space<vmem>> -> memref<16x128xf32, #tpu.memory_space<vmem>>
      %dma_start3A_205 = arith.constant 0 : i32
      %dma_start3A_206 = arith.constant 0 : i32
      %dma_start3A_207 = tpu.memref_slice %arg3[%dma_start3A_205, %dma_start3A_206] : memref<1300000x128xf32, #tpu.memory_space<hbm>> -> memref<1300000x128xf32, #tpu.memory_space<hbm>>
      tpu.enqueue_indirect_dma source(%dma_start3A_207 : memref<1300000x128xf32, #tpu.memory_space<hbm>>) target(%dma_start3A_204 : memref<16x128xf32, #tpu.memory_space<vmem>>) offsets(%shift_right_logical3A_201 : vector<16xi32>) semaphore(%arg9 : memref<!tpu.dma_semaphore, #tpu.memory_space<semaphore_mem>>)
      %get3A_208 = arith.index_cast %add3A_150 : i32 to index
      %get3A_209 = arith.constant 32 : index
      %get3A_210 = tpu.vector_load %arg5[%get3A_208, %get3A_209] {strides = array<i32>} : memref<26x128xi32, #tpu.memory_space<vmem>>, vector<1x16xi32>,
      %get3A_211 = vector.shape_cast %get3A_210 : vector<1x16xi32> to vector<16xi32>
      %add3A_212 = vector.broadcast %mul3A_177 : i32 to vector<16xi32>
      %add3A_213 = arith.addi %get3A_211, %add3A_212 : vector<16xi32>
      %shift_right_logical3A_214 = arith.constant 1 : i32
      %shift_right_logical3A_215 = vector.broadcast %shift_right_logical3A_214 : i32 to vector<16xi32>
      %shift_right_logical3A_216 = arith.shrui %add3A_213, %shift_right_logical3A_215 : vector<16xi32>
      %dma_start3A_217 = arith.constant 32 : i32
      %dma_start3A_218 = arith.constant 0 : i32
      %dma_start3A_219 = tpu.memref_slice %arg7[%dma_start3A_217, %dma_start3A_218] : memref<128x128xf32, #tpu.memory_space<vmem>> -> memref<16x128xf32, #tpu.memory_space<vmem>>
      %dma_start3A_220 = arith.constant 0 : i32
      %dma_start3A_221 = arith.constant 0 : i32
      %dma_start3A_222 = tpu.memref_slice %arg3[%dma_start3A_220, %dma_start3A_221] : memref<1300000x128xf32, #tpu.memory_space<hbm>> -> memref<1300000x128xf32, #tpu.memory_space<hbm>>
      tpu.enqueue_indirect_dma source(%dma_start3A_222 : memref<1300000x128xf32, #tpu.memory_space<hbm>>) target(%dma_start3A_219 : memref<16x128xf32, #tpu.memory_space<vmem>>) offsets(%shift_right_logical3A_216 : vector<16xi32>) semaphore(%arg9 : memref<!tpu.dma_semaphore, #tpu.memory_space<semaphore_mem>>)
      %get3A_223 = arith.index_cast %add3A_150 : i32 to index
      %get3A_224 = arith.constant 48 : index
      %get3A_225 = tpu.vector_load %arg5[%get3A_223, %get3A_224] {strides = array<i32>} : memref<26x128xi32, #tpu.memory_space<vmem>>, vector<1x16xi32>,
      %get3A_226 = vector.shape_cast %get3A_225 : vector<1x16xi32> to vector<16xi32>
      %add3A_227 = vector.broadcast %mul3A_177 : i32 to vector<16xi32>
      %add3A_228 = arith.addi %get3A_226, %add3A_227 : vector<16xi32>
      %shift_right_logical3A_229 = arith.constant 1 : i32
      %shift_right_logical3A_230 = vector.broadcast %shift_right_logical3A_229 : i32 to vector<16xi32>
      %shift_right_logical3A_231 = arith.shrui %add3A_228, %shift_right_logical3A_230 : vector<16xi32>
      %dma_start3A_232 = arith.constant 48 : i32
      %dma_start3A_233 = arith.constant 0 : i32
      %dma_start3A_234 = tpu.memref_slice %arg7[%dma_start3A_232, %dma_start3A_233] : memref<128x128xf32, #tpu.memory_space<vmem>> -> memref<16x128xf32, #tpu.memory_space<vmem>>
      %dma_start3A_235 = arith.constant 0 : i32
      %dma_start3A_236 = arith.constant 0 : i32
      %dma_start3A_237 = tpu.memref_slice %arg3[%dma_start3A_235, %dma_start3A_236] : memref<1300000x128xf32, #tpu.memory_space<hbm>> -> memref<1300000x128xf32, #tpu.memory_space<hbm>>
      tpu.enqueue_indirect_dma source(%dma_start3A_237 : memref<1300000x128xf32, #tpu.memory_space<hbm>>) target(%dma_start3A_234 : memref<16x128xf32, #tpu.memory_space<vmem>>) offsets(%shift_right_logical3A_231 : vector<16xi32>) semaphore(%arg9 : memref<!tpu.dma_semaphore, #tpu.memory_space<semaphore_mem>>)
      %get3A_238 = arith.index_cast %add3A_150 : i32 to index
      %get3A_239 = arith.constant 64 : index
      %get3A_240 = tpu.vector_load %arg5[%get3A_238, %get3A_239] {strides = array<i32>} : memref<26x128xi32, #tpu.memory_space<vmem>>, vector<1x16xi32>,
      %get3A_241 = vector.shape_cast %get3A_240 : vector<1x16xi32> to vector<16xi32>
      %add3A_242 = vector.broadcast %mul3A_177 : i32 to vector<16xi32>
      %add3A_243 = arith.addi %get3A_241, %add3A_242 : vector<16xi32>
      %shift_right_logical3A_244 = arith.constant 1 : i32
      %shift_right_logical3A_245 = vector.broadcast %shift_right_logical3A_244 : i32 to vector<16xi32>
      %shift_right_logical3A_246 = arith.shrui %add3A_243, %shift_right_logical3A_245 : vector<16xi32>
      %dma_start3A_247 = arith.constant 64 : i32
      %dma_start3A_248 = arith.constant 0 : i32
      %dma_start3A_249 = tpu.memref_slice %arg7[%dma_start3A_247, %dma_start3A_248] : memref<128x128xf32, #tpu.memory_space<vmem>> -> memref<16x128xf32, #tpu.memory_space<vmem>>
      %dma_start3A_250 = arith.constant 0 : i32
      %dma_start3A_251 = arith.constant 0 : i32
      %dma_start3A_252 = tpu.memref_slice %arg3[%dma_start3A_250, %dma_start3A_251] : memref<1300000x128xf32, #tpu.memory_space<hbm>> -> memref<1300000x128xf32, #tpu.memory_space<hbm>>
      tpu.enqueue_indirect_dma source(%dma_start3A_252 : memref<1300000x128xf32, #tpu.memory_space<hbm>>) target(%dma_start3A_249 : memref<16x128xf32, #tpu.memory_space<vmem>>) offsets(%shift_right_logical3A_246 : vector<16xi32>) semaphore(%arg9 : memref<!tpu.dma_semaphore, #tpu.memory_space<semaphore_mem>>)
      %get3A_253 = arith.index_cast %add3A_150 : i32 to index
      %get3A_254 = arith.constant 80 : index
      %get3A_255 = tpu.vector_load %arg5[%get3A_253, %get3A_254] {strides = array<i32>} : memref<26x128xi32, #tpu.memory_space<vmem>>, vector<1x16xi32>,
      %get3A_256 = vector.shape_cast %get3A_255 : vector<1x16xi32> to vector<16xi32>
      %add3A_257 = vector.broadcast %mul3A_177 : i32 to vector<16xi32>
      %add3A_258 = arith.addi %get3A_256, %add3A_257 : vector<16xi32>
      %shift_right_logical3A_259 = arith.constant 1 : i32
      %shift_right_logical3A_260 = vector.broadcast %shift_right_logical3A_259 : i32 to vector<16xi32>
      %shift_right_logical3A_261 = arith.shrui %add3A_258, %shift_right_logical3A_260 : vector<16xi32>
      %dma_start3A_262 = arith.constant 80 : i32
      %dma_start3A_263 = arith.constant 0 : i32
      %dma_start3A_264 = tpu.memref_slice %arg7[%dma_start3A_262, %dma_start3A_263] : memref<128x128xf32, #tpu.memory_space<vmem>> -> memref<16x128xf32, #tpu.memory_space<vmem>>
      %dma_start3A_265 = arith.constant 0 : i32
      %dma_start3A_266 = arith.constant 0 : i32
      %dma_start3A_267 = tpu.memref_slice %arg3[%dma_start3A_265, %dma_start3A_266] : memref<1300000x128xf32, #tpu.memory_space<hbm>> -> memref<1300000x128xf32, #tpu.memory_space<hbm>>
      tpu.enqueue_indirect_dma source(%dma_start3A_267 : memref<1300000x128xf32, #tpu.memory_space<hbm>>) target(%dma_start3A_264 : memref<16x128xf32, #tpu.memory_space<vmem>>) offsets(%shift_right_logical3A_261 : vector<16xi32>) semaphore(%arg9 : memref<!tpu.dma_semaphore, #tpu.memory_space<semaphore_mem>>)
      %get3A_268 = arith.index_cast %add3A_150 : i32 to index
      %get3A_269 = arith.constant 96 : index
      %get3A_270 = tpu.vector_load %arg5[%get3A_268, %get3A_269] {strides = array<i32>} : memref<26x128xi32, #tpu.memory_space<vmem>>, vector<1x16xi32>,
      %get3A_271 = vector.shape_cast %get3A_270 : vector<1x16xi32> to vector<16xi32>
      %add3A_272 = vector.broadcast %mul3A_177 : i32 to vector<16xi32>
      %add3A_273 = arith.addi %get3A_271, %add3A_272 : vector<16xi32>
      %shift_right_logical3A_274 = arith.constant 1 : i32
      %shift_right_logical3A_275 = vector.broadcast %shift_right_logical3A_274 : i32 to vector<16xi32>
      %shift_right_logical3A_276 = arith.shrui %add3A_273, %shift_right_logical3A_275 : vector<16xi32>
      %dma_start3A_277 = arith.constant 96 : i32
      %dma_start3A_278 = arith.constant 0 : i32
      %dma_start3A_279 = tpu.memref_slice %arg7[%dma_start3A_277, %dma_start3A_278] : memref<128x128xf32, #tpu.memory_space<vmem>> -> memref<16x128xf32, #tpu.memory_space<vmem>>
      %dma_start3A_280 = arith.constant 0 : i32
      %dma_start3A_281 = arith.constant 0 : i32
      %dma_start3A_282 = tpu.memref_slice %arg3[%dma_start3A_280, %dma_start3A_281] : memref<1300000x128xf32, #tpu.memory_space<hbm>> -> memref<1300000x128xf32, #tpu.memory_space<hbm>>
      tpu.enqueue_indirect_dma source(%dma_start3A_282 : memref<1300000x128xf32, #tpu.memory_space<hbm>>) target(%dma_start3A_279 : memref<16x128xf32, #tpu.memory_space<vmem>>) offsets(%shift_right_logical3A_276 : vector<16xi32>) semaphore(%arg9 : memref<!tpu.dma_semaphore, #tpu.memory_space<semaphore_mem>>)
      %get3A_283 = arith.index_cast %add3A_150 : i32 to index
      %get3A_284 = arith.constant 112 : index
      %get3A_285 = tpu.vector_load %arg5[%get3A_283, %get3A_284] {strides = array<i32>} : memref<26x128xi32, #tpu.memory_space<vmem>>, vector<1x16xi32>,
      %get3A_286 = vector.shape_cast %get3A_285 : vector<1x16xi32> to vector<16xi32>
      %add3A_287 = vector.broadcast %mul3A_177 : i32 to vector<16xi32>
      %add3A_288 = arith.addi %get3A_286, %add3A_287 : vector<16xi32>
      %shift_right_logical3A_289 = arith.constant 1 : i32
      %shift_right_logical3A_290 = vector.broadcast %shift_right_logical3A_289 : i32 to vector<16xi32>
      %shift_right_logical3A_291 = arith.shrui %add3A_288, %shift_right_logical3A_290 : vector<16xi32>
      %dma_start3A_292 = arith.constant 112 : i32
      %dma_start3A_293 = arith.constant 0 : i32
      %dma_start3A_294 = tpu.memref_slice %arg7[%dma_start3A_292, %dma_start3A_293] : memref<128x128xf32, #tpu.memory_space<vmem>> -> memref<16x128xf32, #tpu.memory_space<vmem>>
      %dma_start3A_295 = arith.constant 0 : i32
      %dma_start3A_296 = arith.constant 0 : i32
      %dma_start3A_297 = tpu.memref_slice %arg3[%dma_start3A_295, %dma_start3A_296] : memref<1300000x128xf32, #tpu.memory_space<hbm>> -> memref<1300000x128xf32, #tpu.memory_space<hbm>>
      tpu.enqueue_indirect_dma source(%dma_start3A_297 : memref<1300000x128xf32, #tpu.memory_space<hbm>>) target(%dma_start3A_294 : memref<16x128xf32, #tpu.memory_space<vmem>>) offsets(%shift_right_logical3A_291 : vector<16xi32>) semaphore(%arg9 : memref<!tpu.dma_semaphore, #tpu.memory_space<semaphore_mem>>)
      %dma_wait3A = arith.constant 0 : i32
      %dma_wait3A_298 = arith.constant 0 : i32
      %dma_wait3A_299 = tpu.memref_slice %arg6[%dma_wait3A, %dma_wait3A_298] : memref<128x128xf32, #tpu.memory_space<vmem>> -> memref<16x128xf32, #tpu.memory_space<vmem>>
      %dma_wait3A_300 = arith.constant 0 : i32
      %dma_wait3A_301 = arith.constant 0 : i32
      %dma_wait3A_302 = tpu.memref_slice %arg3[%dma_wait3A_300, %dma_wait3A_301] : memref<1300000x128xf32, #tpu.memory_space<hbm>> -> memref<1300000x128xf32, #tpu.memory_space<hbm>>
      tpu.wait_indirect_dma semaphore(%arg8 : memref<!tpu.dma_semaphore, #tpu.memory_space<semaphore_mem>>) src(%dma_wait3A_302 : memref<1300000x128xf32, #tpu.memory_space<hbm>>) dst(%dma_wait3A_299 : memref<16x128xf32, #tpu.memory_space<vmem>>)
      %dma_wait3A_303 = arith.constant 16 : i32
      %dma_wait3A_304 = arith.constant 0 : i32
      %dma_wait3A_305 = tpu.memref_slice %arg6[%dma_wait3A_303, %dma_wait3A_304] : memref<128x128xf32, #tpu.memory_space<vmem>> -> memref<16x128xf32, #tpu.memory_space<vmem>>
      %dma_wait3A_306 = arith.constant 0 : i32
      %dma_wait3A_307 = arith.constant 0 : i32
      %dma_wait3A_308 = tpu.memref_slice %arg3[%dma_wait3A_306, %dma_wait3A_307] : memref<1300000x128xf32, #tpu.memory_space<hbm>> -> memref<1300000x128xf32, #tpu.memory_space<hbm>>
      tpu.wait_indirect_dma semaphore(%arg8 : memref<!tpu.dma_semaphore, #tpu.memory_space<semaphore_mem>>) src(%dma_wait3A_308 : memref<1300000x128xf32, #tpu.memory_space<hbm>>) dst(%dma_wait3A_305 : memref<16x128xf32, #tpu.memory_space<vmem>>)
      %dma_wait3A_309 = arith.constant 32 : i32
      %dma_wait3A_310 = arith.constant 0 : i32
      %dma_wait3A_311 = tpu.memref_slice %arg6[%dma_wait3A_309, %dma_wait3A_310] : memref<128x128xf32, #tpu.memory_space<vmem>> -> memref<16x128xf32, #tpu.memory_space<vmem>>
      %dma_wait3A_312 = arith.constant 0 : i32
      %dma_wait3A_313 = arith.constant 0 : i32
      %dma_wait3A_314 = tpu.memref_slice %arg3[%dma_wait3A_312, %dma_wait3A_313] : memref<1300000x128xf32, #tpu.memory_space<hbm>> -> memref<1300000x128xf32, #tpu.memory_space<hbm>>
      tpu.wait_indirect_dma semaphore(%arg8 : memref<!tpu.dma_semaphore, #tpu.memory_space<semaphore_mem>>) src(%dma_wait3A_314 : memref<1300000x128xf32, #tpu.memory_space<hbm>>) dst(%dma_wait3A_311 : memref<16x128xf32, #tpu.memory_space<vmem>>)
      %dma_wait3A_315 = arith.constant 48 : i32
      %dma_wait3A_316 = arith.constant 0 : i32
      %dma_wait3A_317 = tpu.memref_slice %arg6[%dma_wait3A_315, %dma_wait3A_316] : memref<128x128xf32, #tpu.memory_space<vmem>> -> memref<16x128xf32, #tpu.memory_space<vmem>>
      %dma_wait3A_318 = arith.constant 0 : i32
      %dma_wait3A_319 = arith.constant 0 : i32
      %dma_wait3A_320 = tpu.memref_slice %arg3[%dma_wait3A_318, %dma_wait3A_319] : memref<1300000x128xf32, #tpu.memory_space<hbm>> -> memref<1300000x128xf32, #tpu.memory_space<hbm>>
      tpu.wait_indirect_dma semaphore(%arg8 : memref<!tpu.dma_semaphore, #tpu.memory_space<semaphore_mem>>) src(%dma_wait3A_320 : memref<1300000x128xf32, #tpu.memory_space<hbm>>) dst(%dma_wait3A_317 : memref<16x128xf32, #tpu.memory_space<vmem>>)
      %dma_wait3A_321 = arith.constant 64 : i32
      %dma_wait3A_322 = arith.constant 0 : i32
      %dma_wait3A_323 = tpu.memref_slice %arg6[%dma_wait3A_321, %dma_wait3A_322] : memref<128x128xf32, #tpu.memory_space<vmem>> -> memref<16x128xf32, #tpu.memory_space<vmem>>
      %dma_wait3A_324 = arith.constant 0 : i32
      %dma_wait3A_325 = arith.constant 0 : i32
      %dma_wait3A_326 = tpu.memref_slice %arg3[%dma_wait3A_324, %dma_wait3A_325] : memref<1300000x128xf32, #tpu.memory_space<hbm>> -> memref<1300000x128xf32, #tpu.memory_space<hbm>>
      tpu.wait_indirect_dma semaphore(%arg8 : memref<!tpu.dma_semaphore, #tpu.memory_space<semaphore_mem>>) src(%dma_wait3A_326 : memref<1300000x128xf32, #tpu.memory_space<hbm>>) dst(%dma_wait3A_323 : memref<16x128xf32, #tpu.memory_space<vmem>>)
      %dma_wait3A_327 = arith.constant 80 : i32
      %dma_wait3A_328 = arith.constant 0 : i32
      %dma_wait3A_329 = tpu.memref_slice %arg6[%dma_wait3A_327, %dma_wait3A_328] : memref<128x128xf32, #tpu.memory_space<vmem>> -> memref<16x128xf32, #tpu.memory_space<vmem>>
      %dma_wait3A_330 = arith.constant 0 : i32
      %dma_wait3A_331 = arith.constant 0 : i32
      %dma_wait3A_332 = tpu.memref_slice %arg3[%dma_wait3A_330, %dma_wait3A_331] : memref<1300000x128xf32, #tpu.memory_space<hbm>> -> memref<1300000x128xf32, #tpu.memory_space<hbm>>
      tpu.wait_indirect_dma semaphore(%arg8 : memref<!tpu.dma_semaphore, #tpu.memory_space<semaphore_mem>>) src(%dma_wait3A_332 : memref<1300000x128xf32, #tpu.memory_space<hbm>>) dst(%dma_wait3A_329 : memref<16x128xf32, #tpu.memory_space<vmem>>)
      %dma_wait3A_333 = arith.constant 96 : i32
      %dma_wait3A_334 = arith.constant 0 : i32
      %dma_wait3A_335 = tpu.memref_slice %arg6[%dma_wait3A_333, %dma_wait3A_334] : memref<128x128xf32, #tpu.memory_space<vmem>> -> memref<16x128xf32, #tpu.memory_space<vmem>>
      %dma_wait3A_336 = arith.constant 0 : i32
      %dma_wait3A_337 = arith.constant 0 : i32
      %dma_wait3A_338 = tpu.memref_slice %arg3[%dma_wait3A_336, %dma_wait3A_337] : memref<1300000x128xf32, #tpu.memory_space<hbm>> -> memref<1300000x128xf32, #tpu.memory_space<hbm>>
      tpu.wait_indirect_dma semaphore(%arg8 : memref<!tpu.dma_semaphore, #tpu.memory_space<semaphore_mem>>) src(%dma_wait3A_338 : memref<1300000x128xf32, #tpu.memory_space<hbm>>) dst(%dma_wait3A_335 : memref<16x128xf32, #tpu.memory_space<vmem>>)
      %dma_wait3A_339 = arith.constant 112 : i32
      %dma_wait3A_340 = arith.constant 0 : i32
      %dma_wait3A_341 = tpu.memref_slice %arg6[%dma_wait3A_339, %dma_wait3A_340] : memref<128x128xf32, #tpu.memory_space<vmem>> -> memref<16x128xf32, #tpu.memory_space<vmem>>
      %dma_wait3A_342 = arith.constant 0 : i32
      %dma_wait3A_343 = arith.constant 0 : i32
      %dma_wait3A_344 = tpu.memref_slice %arg3[%dma_wait3A_342, %dma_wait3A_343] : memref<1300000x128xf32, #tpu.memory_space<hbm>> -> memref<1300000x128xf32, #tpu.memory_space<hbm>>
      tpu.wait_indirect_dma semaphore(%arg8 : memref<!tpu.dma_semaphore, #tpu.memory_space<semaphore_mem>>) src(%dma_wait3A_344 : memref<1300000x128xf32, #tpu.memory_space<hbm>>) dst(%dma_wait3A_341 : memref<16x128xf32, #tpu.memory_space<vmem>>)
      %mul3A_345 = arith.constant 128 : i32
      %mul3A_346 = arith.muli %mul3A_12, %mul3A_345 : i32
      %add3A_347 = arith.addi %mul3A_2, %mul3A_346 : i32
      "tpu.region"() ({
        %run_scoped3A = tpu.sem_alloc : memref<!tpu.dma_semaphore, #tpu.memory_space<semaphore_mem>>
        %dma_start3A_401 = arith.constant 0 : i32
        %dma_start3A_402 = tpu.memref_slice %arg4[%add3A_347, %dma_start3A_401] : memref<106496x128xf32, #tpu.memory_space<hbm>> -> memref<128x128xf32, #tpu.memory_space<hbm>>
        %dma_start3A_403 = arith.constant 0 : i32
        %dma_start3A_404 = tpu.memref_slice %arg4[%add3A_347, %dma_start3A_403] : memref<106496x128xf32, #tpu.memory_space<hbm>> -> memref<128x128xf32, #tpu.memory_space<hbm>>
        tpu.enqueue_dma source(%arg6 : memref<128x128xf32, #tpu.memory_space<vmem>>) target(%dma_start3A_404 : memref<128x128xf32, #tpu.memory_space<hbm>>) target_semaphore(%run_scoped3A : memref<!tpu.dma_semaphore, #tpu.memory_space<semaphore_mem>>)
        %dma_wait3A_405 = arith.constant 0 : i32
        %dma_wait3A_406 = tpu.memref_slice %arg4[%add3A_347, %dma_wait3A_405] : memref<106496x128xf32, #tpu.memory_space<hbm>> -> memref<128x128xf32, #tpu.memory_space<hbm>>
        %dma_wait3A_407 = arith.constant 0 : i32
        %dma_wait3A_408 = tpu.memref_slice %arg4[%add3A_347, %dma_wait3A_407] : memref<106496x128xf32, #tpu.memory_space<hbm>> -> memref<128x128xf32, #tpu.memory_space<hbm>>
        tpu.wait_dma2 semaphore(%run_scoped3A : memref<!tpu.dma_semaphore, #tpu.memory_space<semaphore_mem>>) src(%arg6 : memref<128x128xf32, #tpu.memory_space<vmem>>) dst(%dma_wait3A_408 : memref<128x128xf32, #tpu.memory_space<hbm>>)
        tpu.yield
      }) : () -> ()
      %dma_wait3A_348 = arith.constant 0 : i32
      %dma_wait3A_349 = arith.constant 0 : i32
      %dma_wait3A_350 = tpu.memref_slice %arg7[%dma_wait3A_348, %dma_wait3A_349] : memref<128x128xf32, #tpu.memory_space<vmem>> -> memref<16x128xf32, #tpu.memory_space<vmem>>
      %dma_wait3A_351 = arith.constant 0 : i32
      %dma_wait3A_352 = arith.constant 0 : i32
      %dma_wait3A_353 = tpu.memref_slice %arg3[%dma_wait3A_351, %dma_wait3A_352] : memref<1300000x128xf32, #tpu.memory_space<hbm>> -> memref<1300000x128xf32, #tpu.memory_space<hbm>>
      tpu.wait_indirect_dma semaphore(%arg9 : memref<!tpu.dma_semaphore, #tpu.memory_space<semaphore_mem>>) src(%dma_wait3A_353 : memref<1300000x128xf32, #tpu.memory_space<hbm>>) dst(%dma_wait3A_350 : memref<16x128xf32, #tpu.memory_space<vmem>>)
      %dma_wait3A_354 = arith.constant 16 : i32
      %dma_wait3A_355 = arith.constant 0 : i32
      %dma_wait3A_356 = tpu.memref_slice %arg7[%dma_wait3A_354, %dma_wait3A_355] : memref<128x128xf32, #tpu.memory_space<vmem>> -> memref<16x128xf32, #tpu.memory_space<vmem>>
      %dma_wait3A_357 = arith.constant 0 : i32
      %dma_wait3A_358 = arith.constant 0 : i32
      %dma_wait3A_359 = tpu.memref_slice %arg3[%dma_wait3A_357, %dma_wait3A_358] : memref<1300000x128xf32, #tpu.memory_space<hbm>> -> memref<1300000x128xf32, #tpu.memory_space<hbm>>
      tpu.wait_indirect_dma semaphore(%arg9 : memref<!tpu.dma_semaphore, #tpu.memory_space<semaphore_mem>>) src(%dma_wait3A_359 : memref<1300000x128xf32, #tpu.memory_space<hbm>>) dst(%dma_wait3A_356 : memref<16x128xf32, #tpu.memory_space<vmem>>)
      %dma_wait3A_360 = arith.constant 32 : i32
      %dma_wait3A_361 = arith.constant 0 : i32
      %dma_wait3A_362 = tpu.memref_slice %arg7[%dma_wait3A_360, %dma_wait3A_361] : memref<128x128xf32, #tpu.memory_space<vmem>> -> memref<16x128xf32, #tpu.memory_space<vmem>>
      %dma_wait3A_363 = arith.constant 0 : i32
      %dma_wait3A_364 = arith.constant 0 : i32
      %dma_wait3A_365 = tpu.memref_slice %arg3[%dma_wait3A_363, %dma_wait3A_364] : memref<1300000x128xf32, #tpu.memory_space<hbm>> -> memref<1300000x128xf32, #tpu.memory_space<hbm>>
      tpu.wait_indirect_dma semaphore(%arg9 : memref<!tpu.dma_semaphore, #tpu.memory_space<semaphore_mem>>) src(%dma_wait3A_365 : memref<1300000x128xf32, #tpu.memory_space<hbm>>) dst(%dma_wait3A_362 : memref<16x128xf32, #tpu.memory_space<vmem>>)
      %dma_wait3A_366 = arith.constant 48 : i32
      %dma_wait3A_367 = arith.constant 0 : i32
      %dma_wait3A_368 = tpu.memref_slice %arg7[%dma_wait3A_366, %dma_wait3A_367] : memref<128x128xf32, #tpu.memory_space<vmem>> -> memref<16x128xf32, #tpu.memory_space<vmem>>
      %dma_wait3A_369 = arith.constant 0 : i32
      %dma_wait3A_370 = arith.constant 0 : i32
      %dma_wait3A_371 = tpu.memref_slice %arg3[%dma_wait3A_369, %dma_wait3A_370] : memref<1300000x128xf32, #tpu.memory_space<hbm>> -> memref<1300000x128xf32, #tpu.memory_space<hbm>>
      tpu.wait_indirect_dma semaphore(%arg9 : memref<!tpu.dma_semaphore, #tpu.memory_space<semaphore_mem>>) src(%dma_wait3A_371 : memref<1300000x128xf32, #tpu.memory_space<hbm>>) dst(%dma_wait3A_368 : memref<16x128xf32, #tpu.memory_space<vmem>>)
      %dma_wait3A_372 = arith.constant 64 : i32
      %dma_wait3A_373 = arith.constant 0 : i32
      %dma_wait3A_374 = tpu.memref_slice %arg7[%dma_wait3A_372, %dma_wait3A_373] : memref<128x128xf32, #tpu.memory_space<vmem>> -> memref<16x128xf32, #tpu.memory_space<vmem>>
      %dma_wait3A_375 = arith.constant 0 : i32
      %dma_wait3A_376 = arith.constant 0 : i32
      %dma_wait3A_377 = tpu.memref_slice %arg3[%dma_wait3A_375, %dma_wait3A_376] : memref<1300000x128xf32, #tpu.memory_space<hbm>> -> memref<1300000x128xf32, #tpu.memory_space<hbm>>
      tpu.wait_indirect_dma semaphore(%arg9 : memref<!tpu.dma_semaphore, #tpu.memory_space<semaphore_mem>>) src(%dma_wait3A_377 : memref<1300000x128xf32, #tpu.memory_space<hbm>>) dst(%dma_wait3A_374 : memref<16x128xf32, #tpu.memory_space<vmem>>)
      %dma_wait3A_378 = arith.constant 80 : i32
      %dma_wait3A_379 = arith.constant 0 : i32
      %dma_wait3A_380 = tpu.memref_slice %arg7[%dma_wait3A_378, %dma_wait3A_379] : memref<128x128xf32, #tpu.memory_space<vmem>> -> memref<16x128xf32, #tpu.memory_space<vmem>>
      %dma_wait3A_381 = arith.constant 0 : i32
      %dma_wait3A_382 = arith.constant 0 : i32
      %dma_wait3A_383 = tpu.memref_slice %arg3[%dma_wait3A_381, %dma_wait3A_382] : memref<1300000x128xf32, #tpu.memory_space<hbm>> -> memref<1300000x128xf32, #tpu.memory_space<hbm>>
      tpu.wait_indirect_dma semaphore(%arg9 : memref<!tpu.dma_semaphore, #tpu.memory_space<semaphore_mem>>) src(%dma_wait3A_383 : memref<1300000x128xf32, #tpu.memory_space<hbm>>) dst(%dma_wait3A_380 : memref<16x128xf32, #tpu.memory_space<vmem>>)
      %dma_wait3A_384 = arith.constant 96 : i32
      %dma_wait3A_385 = arith.constant 0 : i32
      %dma_wait3A_386 = tpu.memref_slice %arg7[%dma_wait3A_384, %dma_wait3A_385] : memref<128x128xf32, #tpu.memory_space<vmem>> -> memref<16x128xf32, #tpu.memory_space<vmem>>
      %dma_wait3A_387 = arith.constant 0 : i32
      %dma_wait3A_388 = arith.constant 0 : i32
      %dma_wait3A_389 = tpu.memref_slice %arg3[%dma_wait3A_387, %dma_wait3A_388] : memref<1300000x128xf32, #tpu.memory_space<hbm>> -> memref<1300000x128xf32, #tpu.memory_space<hbm>>
      tpu.wait_indirect_dma semaphore(%arg9 : memref<!tpu.dma_semaphore, #tpu.memory_space<semaphore_mem>>) src(%dma_wait3A_389 : memref<1300000x128xf32, #tpu.memory_space<hbm>>) dst(%dma_wait3A_386 : memref<16x128xf32, #tpu.memory_space<vmem>>)
      %dma_wait3A_390 = arith.constant 112 : i32
      %dma_wait3A_391 = arith.constant 0 : i32
      %dma_wait3A_392 = tpu.memref_slice %arg7[%dma_wait3A_390, %dma_wait3A_391] : memref<128x128xf32, #tpu.memory_space<vmem>> -> memref<16x128xf32, #tpu.memory_space<vmem>>
      %dma_wait3A_393 = arith.constant 0 : i32
      %dma_wait3A_394 = arith.constant 0 : i32
      %dma_wait3A_395 = tpu.memref_slice %arg3[%dma_wait3A_393, %dma_wait3A_394] : memref<1300000x128xf32, #tpu.memory_space<hbm>> -> memref<1300000x128xf32, #tpu.memory_space<hbm>>
      tpu.wait_indirect_dma semaphore(%arg9 : memref<!tpu.dma_semaphore, #tpu.memory_space<semaphore_mem>>) src(%dma_wait3A_395 : memref<1300000x128xf32, #tpu.memory_space<hbm>>) dst(%dma_wait3A_392 : memref<16x128xf32, #tpu.memory_space<vmem>>)
      %add3A_396 = arith.constant 1 : i32
      %add3A_397 = arith.addi %mul3A_12, %add3A_396 : i32
      %mul3A_398 = arith.constant 128 : i32
      %mul3A_399 = arith.muli %add3A_397, %mul3A_398 : i32
      %add3A_400 = arith.addi %mul3A_2, %mul3A_399 : i32
      "tpu.region"() ({
        %run_scoped3A = tpu.sem_alloc : memref<!tpu.dma_semaphore, #tpu.memory_space<semaphore_mem>>
        %dma_start3A_401 = arith.constant 0 : i32
        %dma_start3A_402 = tpu.memref_slice %arg4[%add3A_400, %dma_start3A_401] : memref<106496x128xf32, #tpu.memory_space<hbm>> -> memref<128x128xf32, #tpu.memory_space<hbm>>
        %dma_start3A_403 = arith.constant 0 : i32
        %dma_start3A_404 = tpu.memref_slice %arg4[%add3A_400, %dma_start3A_403] : memref<106496x128xf32, #tpu.memory_space<hbm>> -> memref<128x128xf32, #tpu.memory_space<hbm>>
        tpu.enqueue_dma source(%arg7 : memref<128x128xf32, #tpu.memory_space<vmem>>) target(%dma_start3A_404 : memref<128x128xf32, #tpu.memory_space<hbm>>) target_semaphore(%run_scoped3A : memref<!tpu.dma_semaphore, #tpu.memory_space<semaphore_mem>>)
        %dma_wait3A_405 = arith.constant 0 : i32
        %dma_wait3A_406 = tpu.memref_slice %arg4[%add3A_400, %dma_wait3A_405] : memref<106496x128xf32, #tpu.memory_space<hbm>> -> memref<128x128xf32, #tpu.memory_space<hbm>>
        %dma_wait3A_407 = arith.constant 0 : i32
        %dma_wait3A_408 = tpu.memref_slice %arg4[%add3A_400, %dma_wait3A_407] : memref<106496x128xf32, #tpu.memory_space<hbm>> -> memref<128x128xf32, #tpu.memory_space<hbm>>
        tpu.wait_dma2 semaphore(%run_scoped3A : memref<!tpu.dma_semaphore, #tpu.memory_space<semaphore_mem>>) src(%arg7 : memref<128x128xf32, #tpu.memory_space<vmem>>) dst(%dma_wait3A_408 : memref<128x128xf32, #tpu.memory_space<hbm>>)
        tpu.yield
      }) : () -> ()
    }
    %scan3A_9 = arith.constant 13 : i32
    return
  }
}

module attributes {stable_mosaic.version = 14 : i64} {
  func.func @_tc_body(%arg0: i32, %arg1: memref<256x13xf32, #tpu.memory_space<vmem>>, %arg2: memref<26x256x128xf32, #tpu.memory_space<vmem>>, %arg3: memref<26x256xi32, #tpu.memory_space<vmem>>, %arg4: memref<13x512xbf16, #tpu.memory_space<vmem>>, %arg5: memref<1x512xf32, #tpu.memory_space<vmem>>, %arg6: memref<512x256xbf16, #tpu.memory_space<vmem>>, %arg7: memref<1x256xf32, #tpu.memory_space<vmem>>, %arg8: memref<256x64xbf16, #tpu.memory_space<vmem>>, %arg9: memref<1x64xf32, #tpu.memory_space<vmem>>, %arg10: memref<729x1024xbf16, #tpu.memory_space<vmem>>, %arg11: memref<64x1024xbf16, #tpu.memory_space<vmem>>, %arg12: memref<1x1024xf32, #tpu.memory_space<vmem>>, %arg13: memref<1024x512xbf16, #tpu.memory_space<vmem>>, %arg14: memref<1x512xf32, #tpu.memory_space<vmem>>, %arg15: memref<512x256xbf16, #tpu.memory_space<vmem>>, %arg16: memref<1x256xf32, #tpu.memory_space<vmem>>, %arg17: memref<256x1xbf16, #tpu.memory_space<vmem>>, %arg18: memref<1x1xf32, #tpu.memory_space<vmem>>, %arg19: memref<256x1xf32, #tpu.memory_space<vmem>>) attributes {dimension_semantics = [#tpu.dimension_semantics<arbitrary>], iteration_bounds = array<i64: 16>, scalar_prefetch = 0 : i64, scratch_operands = 0 : i64, tpu.core_type = #tpu.core_type<tc>, window_params = [{transform_indices = @transform_0, window_bounds = array<i64: 256, 13>}, {transform_indices = @transform_1, window_bounds = array<i64: 26, 256, 128>}, {transform_indices = @transform_2, window_bounds = array<i64: 26, 256>}, {pipeline_mode = #tpu.pipeline_mode<synchronous>, transform_indices = @transform_3, window_bounds = array<i64: 13, 512>}, {pipeline_mode = #tpu.pipeline_mode<synchronous>, transform_indices = @transform_4, window_bounds = array<i64: 1, 512>}, {pipeline_mode = #tpu.pipeline_mode<synchronous>, transform_indices = @transform_5, window_bounds = array<i64: 512, 256>}, {pipeline_mode = #tpu.pipeline_mode<synchronous>, transform_indices = @transform_6, window_bounds = array<i64: 1, 256>}, {pipeline_mode = #tpu.pipeline_mode<synchronous>, transform_indices = @transform_7, window_bounds = array<i64: 256, 64>}, {pipeline_mode = #tpu.pipeline_mode<synchronous>, transform_indices = @transform_8, window_bounds = array<i64: 1, 64>}, {pipeline_mode = #tpu.pipeline_mode<synchronous>, transform_indices = @transform_9, window_bounds = array<i64: 729, 1024>}, {pipeline_mode = #tpu.pipeline_mode<synchronous>, transform_indices = @transform_10, window_bounds = array<i64: 64, 1024>}, {pipeline_mode = #tpu.pipeline_mode<synchronous>, transform_indices = @transform_11, window_bounds = array<i64: 1, 1024>}, {pipeline_mode = #tpu.pipeline_mode<synchronous>, transform_indices = @transform_12, window_bounds = array<i64: 1024, 512>}, {pipeline_mode = #tpu.pipeline_mode<synchronous>, transform_indices = @transform_13, window_bounds = array<i64: 1, 512>}, {pipeline_mode = #tpu.pipeline_mode<synchronous>, transform_indices = @transform_14, window_bounds = array<i64: 512, 256>}, {pipeline_mode = #tpu.pipeline_mode<synchronous>, transform_indices = @transform_15, window_bounds = array<i64: 1, 256>}, {pipeline_mode = #tpu.pipeline_mode<synchronous>, transform_indices = @transform_16, window_bounds = array<i64: 256, 1>}, {pipeline_mode = #tpu.pipeline_mode<synchronous>, transform_indices = @transform_17, window_bounds = array<i64: 1, 1>}, {transform_indices = @transform_18, window_bounds = array<i64: 256, 1>}]} {
    %get3A = arith.constant 0 : index
    %get3A_0 = arith.constant 0 : index
    %get3A_1 = vector.load %arg1[%get3A, %get3A_0] : memref<256x13xf32, #tpu.memory_space<vmem>>, vector<256x13xf32>
    %convert_element_type3A = arith.truncf %get3A_1 : vector<256x13xf32> to vector<256x13xbf16>
    %get3A_2 = arith.constant 0 : index
    %get3A_3 = arith.constant 0 : index
    %get3A_4 = vector.load %arg4[%get3A_2, %get3A_3] : memref<13x512xbf16, #tpu.memory_space<vmem>>, vector<13x512xbf16>
    %dot_general3A = arith.constant dense<0.000000e+00> : vector<256x512xf32>
    %dot_general3A_5 = tpu.matmul %convert_element_type3A, %get3A_4, %dot_general3A {dimension_numbers = #tpu.dot_dimension_numbers<[1], [0], [0], [1], [0, 0, 1, 1], [], []>, transpose_lhs_hint = false} : vector<256x13xbf16>, vector<13x512xbf16>, vector<256x512xf32> -> vector<256x512xf32>
    %get3A_6 = arith.constant 0 : index
    %get3A_7 = arith.constant 0 : index
    %get3A_8 = vector.load %arg5[%get3A_6, %get3A_7] : memref<1x512xf32, #tpu.memory_space<vmem>>, vector<1x512xf32>
    %add3A = vector.broadcast %get3A_8 : vector<1x512xf32> to vector<256x512xf32>
    %add3A_9 = arith.addf %dot_general3A_5, %add3A : vector<256x512xf32>
    %max3A = arith.constant 0.000000e+00 : f32
    %max3A_10 = vector.broadcast %max3A : f32 to vector<256x512xf32>
    %max3A_11 = arith.maximumf %add3A_9, %max3A_10 : vector<256x512xf32>
    %convert_element_type3A_12 = arith.truncf %max3A_11 : vector<256x512xf32> to vector<256x512xbf16>
    %get3A_13 = arith.constant 0 : index
    %get3A_14 = arith.constant 0 : index
    %get3A_15 = vector.load %arg6[%get3A_13, %get3A_14] : memref<512x256xbf16, #tpu.memory_space<vmem>>, vector<512x256xbf16>
    %dot_general3A_16 = arith.constant dense<0.000000e+00> : vector<256x256xf32>
    %dot_general3A_17 = tpu.matmul %convert_element_type3A_12, %get3A_15, %dot_general3A_16 {dimension_numbers = #tpu.dot_dimension_numbers<[1], [0], [0], [1], [0, 0, 1, 1], [], []>, transpose_lhs_hint = false} : vector<256x512xbf16>, vector<512x256xbf16>, vector<256x256xf32> -> vector<256x256xf32>
    %get3A_18 = arith.constant 0 : index
    %get3A_19 = arith.constant 0 : index
    %get3A_20 = vector.load %arg7[%get3A_18, %get3A_19] : memref<1x256xf32, #tpu.memory_space<vmem>>, vector<1x256xf32>
    %add3A_21 = vector.broadcast %get3A_20 : vector<1x256xf32> to vector<256x256xf32>
    %add3A_22 = arith.addf %dot_general3A_17, %add3A_21 : vector<256x256xf32>
    %max3A_23 = arith.constant 0.000000e+00 : f32
    %max3A_24 = vector.broadcast %max3A_23 : f32 to vector<256x256xf32>
    %max3A_25 = arith.maximumf %add3A_22, %max3A_24 : vector<256x256xf32>
    %convert_element_type3A_26 = arith.truncf %max3A_25 : vector<256x256xf32> to vector<256x256xbf16>
    %get3A_27 = arith.constant 0 : index
    %get3A_28 = arith.constant 0 : index
    %get3A_29 = vector.load %arg8[%get3A_27, %get3A_28] : memref<256x64xbf16, #tpu.memory_space<vmem>>, vector<256x64xbf16>
    %dot_general3A_30 = arith.constant dense<0.000000e+00> : vector<256x64xf32>
    %dot_general3A_31 = tpu.matmul %convert_element_type3A_26, %get3A_29, %dot_general3A_30 {dimension_numbers = #tpu.dot_dimension_numbers<[1], [0], [0], [1], [0, 0, 1, 1], [], []>, transpose_lhs_hint = false} : vector<256x256xbf16>, vector<256x64xbf16>, vector<256x64xf32> -> vector<256x64xf32>
    %get3A_32 = arith.constant 0 : index
    %get3A_33 = arith.constant 0 : index
    %get3A_34 = vector.load %arg9[%get3A_32, %get3A_33] : memref<1x64xf32, #tpu.memory_space<vmem>>, vector<1x64xf32>
    %add3A_35 = vector.broadcast %get3A_34 : vector<1x64xf32> to vector<256x64xf32>
    %add3A_36 = arith.addf %dot_general3A_31, %add3A_35 : vector<256x64xf32>
    %max3A_37 = arith.constant 0.000000e+00 : f32
    %max3A_38 = vector.broadcast %max3A_37 : f32 to vector<256x64xf32>
    %max3A_39 = arith.maximumf %add3A_36, %max3A_38 : vector<256x64xf32>
    %get3A_40 = arith.constant 0 : index
    %get3A_41 = arith.constant 0 : index
    %get3A_42 = arith.constant 0 : index
    %get3A_43 = vector.load %arg2[%get3A_40, %get3A_41, %get3A_42] : memref<26x256x128xf32, #tpu.memory_space<vmem>>, vector<26x256x128xf32>
    %get3A_44 = arith.constant 0 : index
    %get3A_45 = arith.constant 0 : index
    %get3A_46 = vector.load %arg3[%get3A_44, %get3A_45] : memref<26x256xi32, #tpu.memory_space<vmem>>, vector<26x256xi32>
    %broadcast_in_dim3A = vector.shape_cast %get3A_46 : vector<26x256xi32> to vector<26x256x1xi32>
    %and3A = arith.constant 1 : i32
    %and3A_47 = vector.broadcast %and3A : i32 to vector<26x256x1xi32>
    %and3A_48 = arith.andi %broadcast_in_dim3A, %and3A_47 : vector<26x256x1xi32>
    %eq3A = arith.constant 1 : i32
    %eq3A_49 = vector.broadcast %eq3A : i32 to vector<26x256x1xi32>
    %eq3A_50 = arith.cmpi eq, %and3A_48, %eq3A_49 : vector<26x256x1xi32>
    %slice3A = vector.extract_strided_slice %get3A_43 {offsets = [0, 0, 64], sizes = [26, 256, 64], strides = [1, 1, 1]} : vector<26x256x128xf32> to vector<26x256x64xf32>
    %slice3A_51 = vector.extract_strided_slice %get3A_43 {offsets = [0, 0, 0], sizes = [26, 256, 64], strides = [1, 1, 1]} : vector<26x256x128xf32> to vector<26x256x64xf32>
    %broadcast_in_dim3A_52 = vector.shape_cast %eq3A_50 : vector<26x256x1xi1> to vector<26x256x1xi1>
    %broadcast_in_dim3A_53 = vector.broadcast %broadcast_in_dim3A_52 : vector<26x256x1xi1> to vector<26x256x64xi1>
    %select_n3A = arith.select %broadcast_in_dim3A_53, %slice3A, %slice3A_51 : vector<26x256x64xi1>, vector<26x256x64xf32>
    %broadcast_in_dim3A_54 = vector.shape_cast %max3A_39 : vector<256x64xf32> to vector<1x256x64xf32>
    %concatenate3A = tpu.concatenate %broadcast_in_dim3A_54, %select_n3A in 0 : vector<1x256x64xf32>, vector<26x256x64xf32> -> vector<27x256x64xf32>
    %convert_element_type3A_55 = arith.truncf %concatenate3A : vector<27x256x64xf32> to vector<27x256x64xbf16>
    %dot_general3A_56 = arith.constant dense<0.000000e+00> : vector<256x27x27xf32>
    %dot_general3A_57 = tpu.matmul %convert_element_type3A_55, %convert_element_type3A_55, %dot_general3A_56 {dimension_numbers = #tpu.dot_dimension_numbers<[2], [2], [0], [0], [0, 1, 0, 0, 1, 0], [1], [1]>, transpose_lhs_hint = false} : vector<27x256x64xbf16>, vector<27x256x64xbf16>, vector<256x27x27xf32> -> vector<256x27x27xf32>
    %reshape3A = vector.shape_cast %dot_general3A_57 : vector<256x27x27xf32> to vector<256x729xf32>
    %convert_element_type3A_58 = arith.truncf %reshape3A : vector<256x729xf32> to vector<256x729xbf16>
    %get3A_59 = arith.constant 0 : index
    %get3A_60 = arith.constant 0 : index
    %get3A_61 = vector.load %arg10[%get3A_59, %get3A_60] : memref<729x1024xbf16, #tpu.memory_space<vmem>>, vector<729x1024xbf16>
    %dot_general3A_62 = arith.constant dense<0.000000e+00> : vector<256x1024xf32>
    %dot_general3A_63 = tpu.matmul %convert_element_type3A_58, %get3A_61, %dot_general3A_62 {dimension_numbers = #tpu.dot_dimension_numbers<[1], [0], [0], [1], [0, 0, 1, 1], [], []>, transpose_lhs_hint = false} : vector<256x729xbf16>, vector<729x1024xbf16>, vector<256x1024xf32> -> vector<256x1024xf32>
    %convert_element_type3A_64 = arith.truncf %max3A_39 : vector<256x64xf32> to vector<256x64xbf16>
    %get3A_65 = arith.constant 0 : index
    %get3A_66 = arith.constant 0 : index
    %get3A_67 = vector.load %arg11[%get3A_65, %get3A_66] : memref<64x1024xbf16, #tpu.memory_space<vmem>>, vector<64x1024xbf16>
    %dot_general3A_68 = arith.constant dense<0.000000e+00> : vector<256x1024xf32>
    %dot_general3A_69 = tpu.matmul %convert_element_type3A_64, %get3A_67, %dot_general3A_68 {dimension_numbers = #tpu.dot_dimension_numbers<[1], [0], [0], [1], [0, 0, 1, 1], [], []>, transpose_lhs_hint = false} : vector<256x64xbf16>, vector<64x1024xbf16>, vector<256x1024xf32> -> vector<256x1024xf32>
    %add3A_70 = arith.addf %dot_general3A_63, %dot_general3A_69 : vector<256x1024xf32>
    %get3A_71 = arith.constant 0 : index
    %get3A_72 = arith.constant 0 : index
    %get3A_73 = vector.load %arg12[%get3A_71, %get3A_72] : memref<1x1024xf32, #tpu.memory_space<vmem>>, vector<1x1024xf32>
    %add3A_74 = vector.broadcast %get3A_73 : vector<1x1024xf32> to vector<256x1024xf32>
    %add3A_75 = arith.addf %add3A_70, %add3A_74 : vector<256x1024xf32>
    %max3A_76 = arith.constant 0.000000e+00 : f32
    %max3A_77 = vector.broadcast %max3A_76 : f32 to vector<256x1024xf32>
    %max3A_78 = arith.maximumf %add3A_75, %max3A_77 : vector<256x1024xf32>
    %convert_element_type3A_79 = arith.truncf %max3A_78 : vector<256x1024xf32> to vector<256x1024xbf16>
    %get3A_80 = arith.constant 0 : index
    %get3A_81 = arith.constant 0 : index
    %get3A_82 = vector.load %arg13[%get3A_80, %get3A_81] : memref<1024x512xbf16, #tpu.memory_space<vmem>>, vector<1024x512xbf16>
    %dot_general3A_83 = arith.constant dense<0.000000e+00> : vector<256x512xf32>
    %dot_general3A_84 = tpu.matmul %convert_element_type3A_79, %get3A_82, %dot_general3A_83 {dimension_numbers = #tpu.dot_dimension_numbers<[1], [0], [0], [1], [0, 0, 1, 1], [], []>, transpose_lhs_hint = false} : vector<256x1024xbf16>, vector<1024x512xbf16>, vector<256x512xf32> -> vector<256x512xf32>
    %get3A_85 = arith.constant 0 : index
    %get3A_86 = arith.constant 0 : index
    %get3A_87 = vector.load %arg14[%get3A_85, %get3A_86] : memref<1x512xf32, #tpu.memory_space<vmem>>, vector<1x512xf32>
    %add3A_88 = vector.broadcast %get3A_87 : vector<1x512xf32> to vector<256x512xf32>
    %add3A_89 = arith.addf %dot_general3A_84, %add3A_88 : vector<256x512xf32>
    %max3A_90 = arith.constant 0.000000e+00 : f32
    %max3A_91 = vector.broadcast %max3A_90 : f32 to vector<256x512xf32>
    %max3A_92 = arith.maximumf %add3A_89, %max3A_91 : vector<256x512xf32>
    %convert_element_type3A_93 = arith.truncf %max3A_92 : vector<256x512xf32> to vector<256x512xbf16>
    %get3A_94 = arith.constant 0 : index
    %get3A_95 = arith.constant 0 : index
    %get3A_96 = vector.load %arg15[%get3A_94, %get3A_95] : memref<512x256xbf16, #tpu.memory_space<vmem>>, vector<512x256xbf16>
    %dot_general3A_97 = arith.constant dense<0.000000e+00> : vector<256x256xf32>
    %dot_general3A_98 = tpu.matmul %convert_element_type3A_93, %get3A_96, %dot_general3A_97 {dimension_numbers = #tpu.dot_dimension_numbers<[1], [0], [0], [1], [0, 0, 1, 1], [], []>, transpose_lhs_hint = false} : vector<256x512xbf16>, vector<512x256xbf16>, vector<256x256xf32> -> vector<256x256xf32>
    %get3A_99 = arith.constant 0 : index
    %get3A_100 = arith.constant 0 : index
    %get3A_101 = vector.load %arg16[%get3A_99, %get3A_100] : memref<1x256xf32, #tpu.memory_space<vmem>>, vector<1x256xf32>
    %add3A_102 = vector.broadcast %get3A_101 : vector<1x256xf32> to vector<256x256xf32>
    %add3A_103 = arith.addf %dot_general3A_98, %add3A_102 : vector<256x256xf32>
    %max3A_104 = arith.constant 0.000000e+00 : f32
    %max3A_105 = vector.broadcast %max3A_104 : f32 to vector<256x256xf32>
    %max3A_106 = arith.maximumf %add3A_103, %max3A_105 : vector<256x256xf32>
    %convert_element_type3A_107 = arith.truncf %max3A_106 : vector<256x256xf32> to vector<256x256xbf16>
    %get3A_108 = arith.constant 0 : index
    %get3A_109 = arith.constant 0 : index
    %get3A_110 = vector.load %arg17[%get3A_108, %get3A_109] : memref<256x1xbf16, #tpu.memory_space<vmem>>, vector<256x1xbf16>
    %dot_general3A_111 = arith.constant dense<0.000000e+00> : vector<256x1xf32>
    %dot_general3A_112 = tpu.matmul %convert_element_type3A_107, %get3A_110, %dot_general3A_111 {dimension_numbers = #tpu.dot_dimension_numbers<[1], [0], [0], [1], [0, 0, 1, 1], [], []>, transpose_lhs_hint = false} : vector<256x256xbf16>, vector<256x1xbf16>, vector<256x1xf32> -> vector<256x1xf32>
    %get3A_113 = arith.constant 0 : index
    %get3A_114 = arith.constant 0 : index
    %get3A_115 = vector.load %arg18[%get3A_113, %get3A_114] : memref<1x1xf32, #tpu.memory_space<vmem>>, vector<1x1xf32>
    %add3A_116 = vector.broadcast %get3A_115 : vector<1x1xf32> to vector<256x1xf32>
    %add3A_117 = arith.addf %dot_general3A_112, %add3A_116 : vector<256x1xf32>
    %logistic3A = arith.negf %add3A_117 : vector<256x1xf32>
    %logistic3A_118 = math.exp %logistic3A : vector<256x1xf32>
    %logistic3A_119 = arith.constant 1.000000e+00 : f32
    %logistic3A_120 = vector.broadcast %logistic3A_119 : f32 to vector<256x1xf32>
    %logistic3A_121 = arith.addf %logistic3A_120, %logistic3A_118 : vector<256x1xf32>
    %logistic3A_122 = arith.divf %logistic3A_120, %logistic3A_121 : vector<256x1xf32>
    %swap3A = arith.constant 0 : index
    %swap3A_123 = arith.constant 0 : index
    %swap3A_124 = vector.load %arg19[%swap3A, %swap3A_123] : memref<256x1xf32, #tpu.memory_space<vmem>>, vector<256x1xf32>
    tpu.vector_store %arg19[%swap3A, %swap3A_123], %logistic3A_122 {strides = array<i32>} : memref<256x1xf32, #tpu.memory_space<vmem>>, vector<256x1xf32>,
    return
  }
  func.func @transform_0(%arg0: i32) -> (i32, i32) {
    %c0_i32 = arith.constant 0 : i32
    %c0_i32_0 = arith.constant 0 : i32
    return %arg0, %c0_i32 : i32, i32
  }
  func.func @transform_1(%arg0: i32) -> (i32, i32, i32) {
    %c0_i32 = arith.constant 0 : i32
    %c0_i32_0 = arith.constant 0 : i32
    %c0_i32_1 = arith.constant 0 : i32
    return %c0_i32, %arg0, %c0_i32_0 : i32, i32, i32
  }
  func.func @transform_2(%arg0: i32) -> (i32, i32) {
    %c0_i32 = arith.constant 0 : i32
    %c0_i32_0 = arith.constant 0 : i32
    return %c0_i32, %arg0 : i32, i32
  }
  func.func @transform_3(%arg0: i32) -> (i32, i32) {
    %c0_i32 = arith.constant 0 : i32
    %c0_i32_0 = arith.constant 0 : i32
    %c0_i32_1 = arith.constant 0 : i32
    return %c0_i32, %c0_i32_0 : i32, i32
  }
  func.func @transform_4(%arg0: i32) -> (i32, i32) {
    %c0_i32 = arith.constant 0 : i32
    %c0_i32_0 = arith.constant 0 : i32
    %c0_i32_1 = arith.constant 0 : i32
    return %c0_i32, %c0_i32_0 : i32, i32
  }
  func.func @transform_5(%arg0: i32) -> (i32, i32) {
    %c0_i32 = arith.constant 0 : i32
    %c0_i32_0 = arith.constant 0 : i32
    %c0_i32_1 = arith.constant 0 : i32
    return %c0_i32, %c0_i32_0 : i32, i32
  }
  func.func @transform_6(%arg0: i32) -> (i32, i32) {
    %c0_i32 = arith.constant 0 : i32
    %c0_i32_0 = arith.constant 0 : i32
    %c0_i32_1 = arith.constant 0 : i32
    return %c0_i32, %c0_i32_0 : i32, i32
  }
  func.func @transform_7(%arg0: i32) -> (i32, i32) {
    %c0_i32 = arith.constant 0 : i32
    %c0_i32_0 = arith.constant 0 : i32
    %c0_i32_1 = arith.constant 0 : i32
    return %c0_i32, %c0_i32_0 : i32, i32
  }
  func.func @transform_8(%arg0: i32) -> (i32, i32) {
    %c0_i32 = arith.constant 0 : i32
    %c0_i32_0 = arith.constant 0 : i32
    %c0_i32_1 = arith.constant 0 : i32
    return %c0_i32, %c0_i32_0 : i32, i32
  }
  func.func @transform_9(%arg0: i32) -> (i32, i32) {
    %c0_i32 = arith.constant 0 : i32
    %c0_i32_0 = arith.constant 0 : i32
    %c0_i32_1 = arith.constant 0 : i32
    return %c0_i32, %c0_i32_0 : i32, i32
  }
  func.func @transform_10(%arg0: i32) -> (i32, i32) {
    %c0_i32 = arith.constant 0 : i32
    %c0_i32_0 = arith.constant 0 : i32
    %c0_i32_1 = arith.constant 0 : i32
    return %c0_i32, %c0_i32_0 : i32, i32
  }
  func.func @transform_11(%arg0: i32) -> (i32, i32) {
    %c0_i32 = arith.constant 0 : i32
    %c0_i32_0 = arith.constant 0 : i32
    %c0_i32_1 = arith.constant 0 : i32
    return %c0_i32, %c0_i32_0 : i32, i32
  }
  func.func @transform_12(%arg0: i32) -> (i32, i32) {
    %c0_i32 = arith.constant 0 : i32
    %c0_i32_0 = arith.constant 0 : i32
    %c0_i32_1 = arith.constant 0 : i32
    return %c0_i32, %c0_i32_0 : i32, i32
  }
  func.func @transform_13(%arg0: i32) -> (i32, i32) {
    %c0_i32 = arith.constant 0 : i32
    %c0_i32_0 = arith.constant 0 : i32
    %c0_i32_1 = arith.constant 0 : i32
    return %c0_i32, %c0_i32_0 : i32, i32
  }
  func.func @transform_14(%arg0: i32) -> (i32, i32) {
    %c0_i32 = arith.constant 0 : i32
    %c0_i32_0 = arith.constant 0 : i32
    %c0_i32_1 = arith.constant 0 : i32
    return %c0_i32, %c0_i32_0 : i32, i32
  }
  func.func @transform_15(%arg0: i32) -> (i32, i32) {
    %c0_i32 = arith.constant 0 : i32
    %c0_i32_0 = arith.constant 0 : i32
    %c0_i32_1 = arith.constant 0 : i32
    return %c0_i32, %c0_i32_0 : i32, i32
  }
  func.func @transform_16(%arg0: i32) -> (i32, i32) {
    %c0_i32 = arith.constant 0 : i32
    %c0_i32_0 = arith.constant 0 : i32
    %c0_i32_1 = arith.constant 0 : i32
    return %c0_i32, %c0_i32_0 : i32, i32
  }
  func.func @transform_17(%arg0: i32) -> (i32, i32) {
    %c0_i32 = arith.constant 0 : i32
    %c0_i32_0 = arith.constant 0 : i32
    %c0_i32_1 = arith.constant 0 : i32
    return %c0_i32, %c0_i32_0 : i32, i32
  }
  func.func @transform_18(%arg0: i32) -> (i32, i32) {
    %c0_i32 = arith.constant 0 : i32
    %c0_i32_0 = arith.constant 0 : i32
    return %arg0, %c0_i32 : i32, i32
  }
}

</mosaic_0001>

<sc_bundles>
// kernel: kernel.4.cloned.1.call-start
scs
__scs_entry_jumppad:
0x0: {  	(pc) =	sbr.rel $0x88, $3  }
0x1: {  	(tag) =	ssettag $0x0;
	lr =	simm.s32 $0x1  }
0x2: {  	[smem:$0x3F90] =	sst lr;
	_ =	strace $0xD0000000  }
0x3: {  	_ = 	snop  }
0x4: {  	_ = 	snop  }
0x5: {  	_ = 	snop  }
0x6: {  	_ = 	snop  }
0x7: {  	_ = 	snop  }
__scs_overlays_trampoline_lowered:
0x8: {  	[smem:$0x3F9F] =	sst s0  }
0x9: {  	[smem:$0x3FA0] =	sst s1  }
0xa: {  	[smem:$0x3FA1] =	sst s2  }
0xb: {  	[smem:$0x3FA2] =	sst s3  }
0xc: {  	[smem:$0x3FA3] =	sst s4  }
0xd: {  	[smem:$0x3FA4] =	sst s5  }
0xe: {  	[smem:$0x3FA5] =	sst s6  }
0xf: {  	[smem:$0x3FA6] =	sst s7  }
0x10: {  	[smem:$0x3FA7] =	sst s8  }
0x11: {  	[smem:$0x3FA8] =	sst s9;
	s0 =	simm.s32 @!p0 $0x0  }
0x12: {  	s1 =	sld [smem:$0x3F8E];
	s0 =	simm.s32 @p0 $0x1  }
0x13: {  	[smem:$0x3FA9] =	sst s0;
	s0 =	simm.s32 @!p1 $0x0  }
0x14: {  	s2 =	sld [smem:$0x3F8D];
	s0 =	simm.s32 @p1 $0x1  }
0x15: {  	[smem:$0x3FAA] =	sst s0;
	s0 =	simm.s32 @!p2 $0x0  }
0x16: {  	s3 =	sld [smem:$0x3FDB];
	s0 =	simm.s32 @p2 $0x1  }
0x17: {  	s4 =	simm.s32 $0x1BF5;
	[smem:$0x3FAC] =	sst s0  }
0x18: {  	s0 =	sld [smem:$0x3F8F];
	_ =	swait.ge [sflag:s4], $0x0  }
0x19: {  	s7 =	sld [smem:$0x3F90]  }
0x1a: {  	s8 =	sadd.s32 $0xFFFFE003, lr  }
0x1b: {  	s9 =	sadd.s32 $0xFFFFFEF7, lr;
	s5 =	simm.s32 $0xFFFFFFFF;
	p2 =	slt.u32 s8, $0xFFFFF086  }
0x1c: {  	p1 =	slt.u32 s9, $0xF7A;
	s5 =	simm.s32 @!p2 $0x0  }
0x1d: {  	s5 =	simm.s32 @p1 $0x1;
	p0 =	seq.s32 s7, s2  }
0x1e: {  	s7 =	smul.u32 @!p0 $0xF7A, s2;
	p2 =	seq.s32 @!p0 s5, $0x0  }
0x1f: {  	s9 =	smul.u32 $0xF7A, s1;
	s8 =	simm.s32 @!p0 $0x1BF5;
	p2 =	por !p2, p0  }
0x20: {  	[sflag:s8] =	ssyncset.s32 @!p0 $0xFFFFF086;
	s6 =	sadd.s32 @!p0 s3, s7;
	s7 =	simm.s32 @!p0 $0x108  }
0x21: {  	s3 =	sadd.s32 s3, s9;
	s6 =	sadd.s32 @!p0 $0x88, s6;
	s7 =	simm.s32 @p2 $0x1082  }
0x22: {  	[simem:s7], [sflag:s8] =	dma.local @!p0 [hbm:s6], $0xF7A  }
0x23: {  	s9 =	sor.u32 $0xD0000000, s2;
	s6 =	simm.s32 $0x108;
	_ =	swait.ge @!p0 [sflag:s8], $0x0  }
0x24: {  	s3 =	sadd.s32 $0x88, s3;
	s6 =	simm.s32 @!p1 $0x1082;
	[sflag:s4] =	ssyncset.s32 $0xFFFFF086  }
0x25: {  	[simem:s6], [sflag:s4] =	dma.local [hbm:s3], $0xF7A  }
0x26: {  	[smem:$0x3F90] =	sst s1;
	(tag) =	ssettag s2;
	_ =	strace s9  }
0x27: {  	s1 =	sld [smem:$0x3FA0]  }
0x28: {  	s2 =	sld [smem:$0x3FA1]  }
0x29: {  	s4 =	sld [smem:$0x3FA3]  }
0x2a: {  	p0 =	seq.s32 s5, $0x0;
	s5 =	sld [smem:$0x3FA4]  }
0x2b: {  	s6 =	sld [smem:$0x3FA5]  }
0x2c: {  	s7 =	sld [smem:$0x3FA6]  }
0x2d: {  	s3 =	simm.s32 $0x108;
	s8 =	sld [smem:$0x3FA7]  }
0x2e: {  	s3 =	simm.s32 @!p0 $0x1082;
	s9 =	sld [smem:$0x3FA8]  }
0x2f: {  	lr =	sadd.s32 s0, s3;
	s0 =	sld [smem:$0x3F9F]  }
0x30: {  	s3 =	sld [smem:$0x3FA2]  }
0x31: {  	[smem:$0x3FAB] =	sst s10  }
0x32: {  	s10 =	sld [smem:$0x3FA9];
	_ =	sdelay $0x3  }
0x33: {  	p0 =	seq.s32 s10, $0x1;
	s10 =	sld [smem:$0x3FAB];
	_ =	sdelay $0x3  }
0x34: {  	[smem:$0x3FAB] =	sst s10  }
0x35: {  	s10 =	sld [smem:$0x3FAA];
	_ =	sdelay $0x3  }
0x36: {  	p1 =	seq.s32 s10, $0x1;
	s10 =	sld [smem:$0x3FAB];
	_ =	sdelay $0x3  }
0x37: {  	[smem:$0x3FAB] =	sst s10  }
0x38: {  	s10 =	sld [smem:$0x3FAC]  }
0x39: {  	_ = 	snop;
	(pc) =	sbr.ind lr, $3  }
0x3a: {  	_ = 	snop  }
0x3b: {  	_ = 	snop  }
0x3c: {  	p2 =	seq.s32 s10, $0x1;
	s10 =	sld [smem:$0x3FAB]  }
0x3d: {  	_ =	shalt  }
0x3e: {  	_ =	shalt  }
0x3f: {  	_ =	shalt  }
0x40: {  	_ =	shalt  }
0x41: {  	_ =	shalt  }
0x42: {  	_ =	shalt  }
0x43: {  	_ =	shalt  }
0x44: {  	_ =	shalt  }
0x45: {  	_ =	shalt  }
0x46: {  	_ =	shalt  }
0x47: {  	_ =	shalt  }
0x48: {  	_ =	shalt  }
0x49: {  	_ =	shalt  }
0x4a: {  	_ =	shalt  }
0x4b: {  	_ =	shalt  }
0x4c: {  	_ =	shalt  }
0x4d: {  	_ =	shalt  }
0x4e: {  	_ =	shalt  }
0x4f: {  	_ =	shalt  }
0x50: {  	_ =	shalt  }
0x51: {  	_ =	shalt  }
0x52: {  	_ =	shalt  }
0x53: {  	_ =	shalt  }
0x54: {  	_ =	shalt  }
0x55: {  	_ =	shalt  }
0x56: {  	_ =	shalt  }
0x57: {  	_ =	shalt  }
0x58: {  	_ =	shalt  }
0x59: {  	_ =	shalt  }
0x5a: {  	_ =	shalt  }
0x5b: {  	_ =	shalt  }
0x5c: {  	_ =	shalt  }
0x5d: {  	_ =	shalt  }
0x5e: {  	_ =	shalt  }
0x5f: {  	_ =	shalt  }
0x60: {  	_ =	shalt  }
0x61: {  	_ =	shalt  }
0x62: {  	_ =	shalt  }
0x63: {  	_ =	shalt  }
0x64: {  	_ =	shalt  }
0x65: {  	_ =	shalt  }
0x66: {  	_ =	shalt  }
0x67: {  	_ =	shalt  }
0x68: {  	_ =	shalt  }
0x69: {  	_ =	shalt  }
0x6a: {  	_ =	shalt  }
0x6b: {  	_ =	shalt  }
0x6c: {  	_ =	shalt  }
0x6d: {  	_ =	shalt  }
0x6e: {  	_ =	shalt  }
0x6f: {  	_ =	shalt  }
0x70: {  	_ =	shalt  }
0x71: {  	_ =	shalt  }
0x72: {  	_ =	shalt  }
0x73: {  	_ =	shalt  }
0x74: {  	_ =	shalt  }
0x75: {  	_ =	shalt  }
0x76: {  	_ =	shalt  }
0x77: {  	_ =	shalt  }
0x78: {  	_ =	shalt  }
0x79: {  	_ =	shalt  }
0x7a: {  	_ =	shalt  }
0x7b: {  	_ =	shalt  }
0x7c: {  	_ =	shalt  }
0x7d: {  	_ =	shalt  }
0x7e: {  	_ =	shalt  }
0x7f: {  	_ =	shalt  }
0x80: {  	_ =	shalt  }
0x81: {  	_ =	shalt  }
0x82: {  	_ =	shalt  }
0x83: {  	_ =	shalt  }
0x84: {  	_ =	shalt  }
0x85: {  	_ =	shalt  }
0x86: {  	_ =	shalt  }
0x87: {  	_ =	shalt  }
.Lfunc_end0:
.L_simem_size_0:
called_computation_lowered:
.L_overlay_start_0:
0x88: {  	s2 =	sld [smem:$0x3FD9]  }
0x89: {  	s3 =	sld [smem:$0x3FFE];
	_ =	sdelay $0x1  }
0x8a: {  	s1 =	srdreg.scid  }
0x8b: {  	s0 =	sand.u32 $0x1, s1  }
0x8c: {  	s16 =	sshll.u32 s0, $0xA;
	s2 =	sadd.s32 s3, s2  }
0x8d: {  	s2 =	sadd.s32 s2, s16  }
0x8e: {  	[smem:$0x3FB7] =	sst s2  }
0x8f: {  	_ = 	snop  }
0x90: {  	(tm) =	ssettm $0x1  }
0x91: {  	s17 =	sld [smem:$0x3FFB];
	_ =	sdelay $0x3  }
0x92: {  	_ =	strace s17  }
0x93: {  	s2 =	sld [smem:$0x3FFC];
	_ =	sdelay $0x3  }
0x94: {  	_ =	strace s2  }
0x95: {  	s2 =	sld [smem:$0x3FFD];
	_ =	sdelay $0x3  }
0x96: {  	_ =	strace s2  }
0x97: {  	_ =	strace $0x8FFFFFFF  }
0x98: {  	s18 =	sld [smem:$0x3FDB];
	_ =	sdelay $0x1  }
0x99: {  	s19 =	simm.s32 $_scs_section_size  }
0x9a: {  	s4 =	simm.s32 $_size__tile_overlayer_lowered;
	s5 =	simm.s32 $_tile_overlayer_lowered  }
0x9b: {  	s22 =	simm.s32 $0x1BFF;
	s21 =	sshll.u32 s5, $0x1;
	s2 =	sadd.s32 s19, s18  }
0x9c: {  	s6 =	simm.s32 $0x0;
	s20 =	sshll.u32 s4, $0x1;
	s4 =	sadd.s32 s21, s2  }
0x9d: {  	[timem:s6], [sflag:s22] =	dma.local [hbm:s4], s20  }
0x9e: {  	_ =	swait.ge [sflag:s22], s20  }
0x9f: {  	s3 =	ssub.s32 $0x0, s20;
	[sflag:s22] =	ssyncset.done $0x0  }
0xa0: {  	[sflag:s22] =	ssyncadd.s32 s3;
	_ =	sdelay $0x1  }
0xa1: {  	s23 =	simm.s32 $0x1B8B  }
0xa2: {  	_ =	swait.ge [sflag:s23], $0x1  }
0xa3: {  	[sflag:s23] =	ssyncset.done $0x0  }
0xa4: {  	s25 =	simm.s32 $0x1B8E;
	s24 =	sld [smem:$0x3FFE];
	[sflag:s23] =	ssyncadd.s32 $0xFFFFFFFF  }
0xa5: {  	s26 =	simm.s32 $execute0_lowered;
	[smem:$0x3FD2] =	sst s25  }
0xa6: {  	s4 =	sshll.u32 s26, $0x1;
	_ =	strace $0x80000046;
	[dreg:$0x1] =	wrdreg $0xFFFFFFFF  }
0xa7: {  	s28 =	simm.s32 $_size_execute0_lowered;
	s2 =	sadd.s32 s2, s4;
	[dreg:$0x0] =	wrdreg $0x0  }
0xa8: {  	s4 =	sshll.u32 s28, $0x1;
	[dreg:$0x2] =	wrdreg s2  }
0xa9: {  	[dreg:$0x3] =	wrdreg s4  }
0xaa: {  	[dreg:$0x4] =	wrdreg $0xC0  }
0xab: {  	_ =	task [dreg:s6], $0x5FFFF  }
0xac: {  	[dreg:$0x1] =	wrdreg $0xFFFFFFFF  }
0xad: {  	[dreg:$0x0] =	wrdreg $0x60  }
0xae: {  	[dreg:$0x2] =	wrdreg s24  }
0xaf: {  	[dreg:$0x3] =	wrdreg $0x9  }
0xb0: {  	_ =	task.clear_ibuf [dreg:s6], $0x4FFFF;
	_ =	strace $0x90000046  }
0xb1: {  	s29 =	simm.s32 $0x9;
	_ =	strace $0x80000048  }
0xb2: {  	_ =	swait.ge [sflag:s29], $0x1  }
0xb3: {  	[sflag:s29] =	ssyncadd.s32 $0xFFFFFFFF  }
0xb4: {  	_ =	strace $0x90000048  }
0xb5: {  	_ =	sfence  }
0xb6: {  	s30 =	sld [smem:$0x0];
	_ =	sdelay $0x2  }
0xb7: {  	s31 =	sshll.u32 s1, $0xD;
	s1 =	sshrl.u32 s1, $0x2  }
0xb8: {  	s3 =	sand.u32 $0x4000, s31;
	s1 =	sadd.s32 s1, s30  }
0xb9: {  	s0 =	sor.u32 s3, s0;
	s1 =	sshll.u32 s1, $0x11  }
0xba: {  	s0 =	sor.u32 s1, s0  }
0xbb: {  	s0 =	sadd.s32 $0x8F2B, s0  }
0xbc: {  	[sflag:s0] =	ssyncadd.remote.s32 $0x1  }
0xbd: {  	_ =	sfence.sel $0xFFFF  }
0xbe: {  	[dreg:$0x0] =	wrdreg $0xFFFFFFFF;
	(pc) =	sbr.abs _section_cstart, $3  }
0xbf: {  	[dreg:$0x1] =	wrdreg $0xFFFFFFFF  }
0xc0: {  	_ =	task.clear_ibuf [dreg:s6], $0x2FFFF;
	_ =	strace $0x9FFFFFFF  }
0xc1: {  	(tm) =	ssettm $0x7FFFFFFF  }
tec
execute0_lowered:
.L_overlay_start_1:
0x0: {  	(tag) =	ssettag $0x1  }
0x1: {  	s4 =	rddreg [dreg:$0x0]  }
0x2: {  	s3 =	srdreg.scid;
	s2 =	simm.s32 $0x0;
	s1 =	stileid.u32  }
0x3: {  	s12 =	simm.s32 $0x2800;
	s13 =	simm.s32 $0x3000;
	s14 =	simm.s32 $0x3800  }
0x4: {  	s15 =	simm.s32 $0x4000;
	s16 =	simm.s32 $0x4800;
	s17 =	simm.s32 $0x5000  }
0x5: {  	s18 =	simm.s32 $0x5800;
	s19 =	simm.s32 $0x6000;
	s20 =	simm.s32 $0x6800  }
0x6: {  	s21 =	simm.s32 $0x7000;
	s22 =	simm.s32 $0x7800;
	s8 =	smul.u32 $0xD0000, s1  }
0x7: {  	s23 =	simm.s32 $0x8000;
	s28 =	simm.s32 $0x0;
	s25 =	smul.u32 $0x1A000, s1  }
0x8: {  	s5 =	sand.u32 $0x1, s3;
	[smem:$0x7FF] =	sst s2;
	s30 =	smul.u32 $0x34, s1  }
0x9: {  	s24 =	sshll.u32 s1, $0xA;
	s11 =	sadd.s32 $0x6600, s4;
	s10 =	smul.u32 $0x68000, s5  }
0xa: {  	s6 =	sshll.u32 s5, $0x9;
	_ =	strace $0x80000047;
	s29 =	smul.u32 $0xD000, s5  }
0xb: {  	s7 =	ssub.s32 $0x2, s5;
	s31 =	smul.u32 $0x1A, s5;
	s3 =	sor.u32 s6, s24  }
0xc: {  	s9 =	sshrl.u32 s7, $0x1;
	s24 =	simm.s32 $0x8800;
	s6 =	sadd.s32 s3, s4  }
0xd: {  	s3 =	sadd.s32 $0x27B2A00, s4;
	s7 =	ssub.s32 s7, s9;
	s26 =	sadd.s32 s10, s8  }
0xe: {  	s9 =	sadd.s32 s25, s11;
	s10 =	simm.s32 $0x1800;
	s25 =	simm.s32 $0x1  }
0xf: {  	s4 =	sadd.s32 $0x2600, s6;
	s6 =	sshrl.u32 s26, $0x3;
	s8 =	sadd.s32 s29, s9  }
0x10: {  	s5 =	smax.u32 s7, $0x1;
	s7 =	sadd.s32 s31, s30;
	s9 =	simm.s32 $0x1000  }
0x11: {  	s26 =	simm.s32 $0x2;
	s6 =	sadd.s32 s6, s11;
	s11 =	simm.s32 $0x2000  }
0x12: {  	vm0 =	vmmov $0xffff;
	[dreg:$0x2] =	wrdreg s6;
	s6 =	sadd.s32 $0x800, s8;
	s8 =	simm.s32 $0x3  }
.LBB2_1:
0x13: {  	[tilespmem:s2], [sflag:$0x3] =	stream.linear.gather [hbm4b:s4+s2], $0xD00, $0x38;
	[tilespmem:$0x9000] =	vst v63  }
0x14: {  	_ =	swait.ge [sflag:s8], $0xD00  }
0x15: {  	s29 =	simm.s32 $0x80;
	[sflag:s8] =	ssyncset.done $0x0  }
0x16: {  	s30 =	smov.u32 s7;
	s31 =	simm.s32 $0x0;
	[sflag:s8] =	ssyncadd.s32 $0xFFFFF300  }
.LBB2_2:
0x17: {  	v0 =	vld [tilespmem:s29+$0xFFFFFF80];
	_ =	sdelay $0x1  }
0x18: {  	s0 =	sshrl.u32 s30, $0x5  }
0x19: {  	s0 =	smul.u32 $0x186A0, s0;
	_ =	sdelay $0x1  }
0x1a: {  	v0 =	vadd.s32 s0, v0  }
0x1b: {  	v0 =	vshrl.u32 v0, $0x1;
	_ =	sdelay $0x4  }
0x1c: {  	[tilespmem:s9], [sflag:$0x1] =	stream.indirect_vreg.gather [hbm4b:s3+s2], $0x80, v0, vm0, $0xb8;
	[tilespmem:$0x9000] =	vst v63  }
0x1d: {  	v0 =	vld [tilespmem:s29+$0xFFFFFF90];
	_ =	sdelay $0x4  }
0x1e: {  	v0 =	vadd.s32 s0, v0  }
0x1f: {  	v0 =	vshrl.u32 v0, $0x1;
	_ =	sdelay $0x4  }
0x20: {  	[tilespmem:s10], [sflag:$0x1] =	stream.indirect_vreg.gather [hbm4b:s3+s2], $0x80, v0, vm0, $0xb8;
	[tilespmem:$0x9000] =	vst v63  }
0x21: {  	v0 =	vld [tilespmem:s29+$0xFFFFFFA0];
	_ =	sdelay $0x4  }
0x22: {  	v0 =	vadd.s32 s0, v0  }
0x23: {  	v0 =	vshrl.u32 v0, $0x1;
	_ =	sdelay $0x4  }
0x24: {  	[tilespmem:s11], [sflag:$0x1] =	stream.indirect_vreg.gather [hbm4b:s3+s2], $0x80, v0, vm0, $0xb8;
	[tilespmem:$0x9000] =	vst v63  }
0x25: {  	v0 =	vld [tilespmem:s29+$0xFFFFFFB0];
	_ =	sdelay $0x4  }
0x26: {  	v0 =	vadd.s32 s0, v0  }
0x27: {  	v0 =	vshrl.u32 v0, $0x1;
	_ =	sdelay $0x4  }
0x28: {  	[tilespmem:s12], [sflag:$0x1] =	stream.indirect_vreg.gather [hbm4b:s3+s2], $0x80, v0, vm0, $0xb8;
	[tilespmem:$0x9000] =	vst v63  }
0x29: {  	v0 =	vld [tilespmem:s29+$0xFFFFFFC0];
	_ =	sdelay $0x4  }
0x2a: {  	v0 =	vadd.s32 s0, v0  }
0x2b: {  	v0 =	vshrl.u32 v0, $0x1;
	_ =	sdelay $0x4  }
0x2c: {  	[tilespmem:s13], [sflag:$0x1] =	stream.indirect_vreg.gather [hbm4b:s3+s2], $0x80, v0, vm0, $0xb8;
	[tilespmem:$0x9000] =	vst v63  }
0x2d: {  	v0 =	vld [tilespmem:s29+$0xFFFFFFD0];
	_ =	sdelay $0x4  }
0x2e: {  	v0 =	vadd.s32 s0, v0  }
0x2f: {  	v0 =	vshrl.u32 v0, $0x1;
	_ =	sdelay $0x4  }
0x30: {  	[tilespmem:s14], [sflag:$0x1] =	stream.indirect_vreg.gather [hbm4b:s3+s2], $0x80, v0, vm0, $0xb8;
	[tilespmem:$0x9000] =	vst v63  }
0x31: {  	v0 =	vld [tilespmem:s29+$0xFFFFFFE0];
	_ =	sdelay $0x4  }
0x32: {  	v0 =	vadd.s32 s0, v0  }
0x33: {  	v0 =	vshrl.u32 v0, $0x1;
	_ =	sdelay $0x4  }
0x34: {  	[tilespmem:s15], [sflag:$0x1] =	stream.indirect_vreg.gather [hbm4b:s3+s2], $0x80, v0, vm0, $0xb8;
	[tilespmem:$0x9000] =	vst v63  }
0x35: {  	v0 =	vld [tilespmem:s29+$0xFFFFFFF0];
	_ =	sdelay $0x4  }
0x36: {  	v0 =	vadd.s32 s0, v0  }
0x37: {  	v0 =	vshrl.u32 v0, $0x1;
	_ =	sdelay $0x4  }
0x38: {  	[tilespmem:s16], [sflag:$0x1] =	stream.indirect_vreg.gather [hbm4b:s3+s2], $0x80, v0, vm0, $0xb8;
	[tilespmem:$0x9000] =	vst v63  }
0x39: {  	v0 =	vld [tilespmem:s29+$0x0];
	_ =	sdelay $0x4  }
0x3a: {  	v0 =	vadd.s32 s0, v0  }
0x3b: {  	v0 =	vshrl.u32 v0, $0x1;
	_ =	sdelay $0x4  }
0x3c: {  	[tilespmem:s17], [sflag:$0x2] =	stream.indirect_vreg.gather [hbm4b:s3+s2], $0x80, v0, vm0, $0xb8;
	[tilespmem:$0x9000] =	vst v63  }
0x3d: {  	v0 =	vld [tilespmem:s29+$0x10];
	_ =	sdelay $0x4  }
0x3e: {  	v0 =	vadd.s32 s0, v0  }
0x3f: {  	v0 =	vshrl.u32 v0, $0x1;
	_ =	sdelay $0x4  }
0x40: {  	[tilespmem:s18], [sflag:$0x2] =	stream.indirect_vreg.gather [hbm4b:s3+s2], $0x80, v0, vm0, $0xb8;
	[tilespmem:$0x9000] =	vst v63  }
0x41: {  	v0 =	vld [tilespmem:s29+$0x20];
	_ =	sdelay $0x4  }
0x42: {  	v0 =	vadd.s32 s0, v0  }
0x43: {  	v0 =	vshrl.u32 v0, $0x1;
	_ =	sdelay $0x4  }
0x44: {  	[tilespmem:s19], [sflag:$0x2] =	stream.indirect_vreg.gather [hbm4b:s3+s2], $0x80, v0, vm0, $0xb8;
	[tilespmem:$0x9000] =	vst v63  }
0x45: {  	v0 =	vld [tilespmem:s29+$0x30];
	_ =	sdelay $0x4  }
0x46: {  	v0 =	vadd.s32 s0, v0  }
0x47: {  	v0 =	vshrl.u32 v0, $0x1;
	_ =	sdelay $0x4  }
0x48: {  	[tilespmem:s20], [sflag:$0x2] =	stream.indirect_vreg.gather [hbm4b:s3+s2], $0x80, v0, vm0, $0xb8;
	[tilespmem:$0x9000] =	vst v63  }
0x49: {  	v0 =	vld [tilespmem:s29+$0x40];
	_ =	sdelay $0x4  }
0x4a: {  	v0 =	vadd.s32 s0, v0  }
0x4b: {  	v0 =	vshrl.u32 v0, $0x1;
	_ =	sdelay $0x4  }
0x4c: {  	[tilespmem:s21], [sflag:$0x2] =	stream.indirect_vreg.gather [hbm4b:s3+s2], $0x80, v0, vm0, $0xb8;
	[tilespmem:$0x9000] =	vst v63  }
0x4d: {  	v0 =	vld [tilespmem:s29+$0x50];
	_ =	sdelay $0x4  }
0x4e: {  	v0 =	vadd.s32 s0, v0  }
0x4f: {  	v0 =	vshrl.u32 v0, $0x1;
	_ =	sdelay $0x4  }
0x50: {  	[tilespmem:s22], [sflag:$0x2] =	stream.indirect_vreg.gather [hbm4b:s3+s2], $0x80, v0, vm0, $0xb8;
	[tilespmem:$0x9000] =	vst v63  }
0x51: {  	v0 =	vld [tilespmem:s29+$0x60];
	_ =	sdelay $0x4  }
0x52: {  	v0 =	vadd.s32 s0, v0  }
0x53: {  	v0 =	vshrl.u32 v0, $0x1;
	_ =	sdelay $0x4  }
0x54: {  	[tilespmem:s23], [sflag:$0x2] =	stream.indirect_vreg.gather [hbm4b:s3+s2], $0x80, v0, vm0, $0xb8;
	[tilespmem:$0x9000] =	vst v63  }
0x55: {  	v0 =	vld [tilespmem:s29+$0x70];
	_ =	sdelay $0x4  }
0x56: {  	v0 =	vadd.s32 s0, v0  }
0x57: {  	v0 =	vshrl.u32 v0, $0x1;
	_ =	sdelay $0x4  }
0x58: {  	[tilespmem:s24], [sflag:$0x2] =	stream.indirect_vreg.gather [hbm4b:s3+s2], $0x80, v0, vm0, $0xb8;
	[tilespmem:$0x9000] =	vst v63  }
0x59: {  	_ =	swait.ge [sflag:s25], $0x800  }
0x5a: {  	[sflag:s25] =	ssyncset.done $0x0  }
0x5b: {  	[sflag:s25] =	ssyncadd.s32 $0xFFFFF800  }
0x5c: {  	_ =	swait.ge [sflag:s25], $0x800  }
0x5d: {  	[sflag:s25] =	ssyncset.done $0x0  }
0x5e: {  	[sflag:s25] =	ssyncadd.s32 $0xFFFFF800  }
0x5f: {  	_ =	swait.ge [sflag:s25], $0x800  }
0x60: {  	[sflag:s25] =	ssyncset.done $0x0  }
0x61: {  	[sflag:s25] =	ssyncadd.s32 $0xFFFFF800  }
0x62: {  	_ =	swait.ge [sflag:s25], $0x800  }
0x63: {  	[sflag:s25] =	ssyncset.done $0x0  }
0x64: {  	[sflag:s25] =	ssyncadd.s32 $0xFFFFF800  }
0x65: {  	_ =	swait.ge [sflag:s25], $0x800  }
0x66: {  	[sflag:s25] =	ssyncset.done $0x0  }
0x67: {  	[sflag:s25] =	ssyncadd.s32 $0xFFFFF800  }
0x68: {  	_ =	swait.ge [sflag:s25], $0x800  }
0x69: {  	[sflag:s25] =	ssyncset.done $0x0  }
0x6a: {  	[sflag:s25] =	ssyncadd.s32 $0xFFFFF800  }
0x6b: {  	_ =	swait.ge [sflag:s25], $0x800  }
0x6c: {  	[sflag:s25] =	ssyncset.done $0x0  }
0x6d: {  	[sflag:s25] =	ssyncadd.s32 $0xFFFFF800  }
0x6e: {  	_ =	swait.ge [sflag:s25], $0x800  }
0x6f: {  	s0 =	rddreg [dreg:$0x2];
	[sflag:s25] =	ssyncset.done $0x0  }
0x70: {  	[sflag:s25] =	ssyncadd.s32 $0xFFFFF800;
	s0 =	sadd.s32 s31, s0  }
0x71: {  	[hbm4b:s0+s2] =	stream.linear.scatter [tilespmem:s9], [sflag:$0x3], $0x4000, $0x38;
	[tilespmem:$0x9000] =	vst v63  }
0x72: {  	_ =	swait.ge [sflag:s8], $0x4000  }
0x73: {  	[sflag:s8] =	ssyncset.done $0x0  }
0x74: {  	[sflag:s8] =	ssyncadd.s32 $0xFFFFC000  }
0x75: {  	_ =	swait.ge [sflag:s26], $0x800  }
0x76: {  	[sflag:s26] =	ssyncset.done $0x0  }
0x77: {  	[sflag:s26] =	ssyncadd.s32 $0xFFFFF800  }
0x78: {  	_ =	swait.ge [sflag:s26], $0x800  }
0x79: {  	[sflag:s26] =	ssyncset.done $0x0  }
0x7a: {  	[sflag:s26] =	ssyncadd.s32 $0xFFFFF800  }
0x7b: {  	_ =	swait.ge [sflag:s26], $0x800  }
0x7c: {  	[sflag:s26] =	ssyncset.done $0x0  }
0x7d: {  	[sflag:s26] =	ssyncadd.s32 $0xFFFFF800  }
0x7e: {  	_ =	swait.ge [sflag:s26], $0x800  }
0x7f: {  	[sflag:s26] =	ssyncset.done $0x0  }
0x80: {  	[sflag:s26] =	ssyncadd.s32 $0xFFFFF800  }
0x81: {  	_ =	swait.ge [sflag:s26], $0x800  }
0x82: {  	[sflag:s26] =	ssyncset.done $0x0  }
0x83: {  	[sflag:s26] =	ssyncadd.s32 $0xFFFFF800  }
0x84: {  	_ =	swait.ge [sflag:s26], $0x800  }
0x85: {  	[sflag:s26] =	ssyncset.done $0x0  }
0x86: {  	[sflag:s26] =	ssyncadd.s32 $0xFFFFF800  }
0x87: {  	_ =	swait.ge [sflag:s26], $0x800  }
0x88: {  	[sflag:s26] =	ssyncset.done $0x0  }
0x89: {  	[sflag:s26] =	ssyncadd.s32 $0xFFFFF800  }
0x8a: {  	_ =	swait.ge [sflag:s26], $0x800  }
0x8b: {  	p0 =	sne.s32 s31, $0xC000;
	[sflag:s26] =	ssyncset.done $0x0  }
.Ltmp0:
0x8c: {  	s0 =	sadd.s32 s31, s6;
	[sflag:s26] =	ssyncadd.s32 $0xFFFFF800;
	(pc) =	sbr.rel @p0 .LBB2_2-.Ltmp0, $4  }
0x8d: {  	[hbm4b:s0+s2] =	stream.linear.scatter [tilespmem:s17], [sflag:$0x3], $0x4000, $0x38;
	[tilespmem:$0x9000] =	vst v63  }
0x8e: {  	_ =	swait.ge [sflag:s8], $0x4000  }
0x8f: {  	s30 =	sadd.s32 $0x2, s30;
	[sflag:s8] =	ssyncset.done $0x0  }
0x90: {  	s29 =	sadd.s32 $0x100, s29;
	s31 =	sadd.s32 $0x1000, s31;
	[sflag:s8] =	ssyncadd.s32 $0xFFFFC000  }
0x91: {  	s28 =	sadd.s32 $0x1, s28  }
0x92: {  	p0 =	sne.s32 s28, s5  }
.Ltmp1:
0x93: {  	_ = 	snop;
	(pc) =	sbr.rel @p0 .LBB2_1-.Ltmp1, $1  }
0x94: {  	_ =	sdelay $0x3  }
0x95: {  	_ =	sfence.sel $0x180000  }
0x96: {  	[bflag:$0x0] =	sbarrier.arrive $0xFFFF  }
0x97: {  	_ =	strace $0x90000047  }
0x98: {  	[bflag:$0x2] =	sbarrier.arrive $0xFFFF  }
0x99: {  	p0 =	sne.s32 s1, $0x0;
	s0 =	rddreg [dreg:$0x1]  }
0x9a: {  	s0 =	sadd.s32 @!p0 $0x100000, s0  }
0x9b: {  	[sflag:s0] =	ssyncadd.tile.s32 @!p0 $0x1;
	_ =	shalt  }
.Lfunc_end2:
_tile_overlayer_lowered:
.L_overlay_start_2:
0x9c: {  	(tag) =	ssettag $0x2  }
0x9d: {  	s0 =	rddreg [dreg:$0x0];
	s2 =	stileid.u32  }
0x9e: {  	s1 =	rddreg [dreg:$0x1];
	p0 =	sne.s32 s2, $0x0  }
0x9f: {  	s3 =	rddreg [dreg:$0x2];
	[bflag:$0x3] =	sbarrier.arrive $0xFFFF;
	s2 =	simm.s32 @!p0 $0x1C03  }
0xa0: {  	[timem:s3], [sflag:s2] =	dma.local @!p0 [hbm:s0], s1  }
0xa1: {  	s0 =	simm.s32 @!p0 $0x3  }
0xa2: {  	_ =	swait.ge @!p0 [sflag:s0], s1  }
0xa3: {  	s1 =	ssub.s32 @!p0 $0x0, s1;
	[sflag:s0] =	ssyncset.done @!p0 $0x0  }
0xa4: {  	[sflag:s0] =	ssyncadd.s32 @!p0 s1  }
0xa5: {  	[bflag:$0x3] =	sbarrier.arrive $0xFFFF  }
0xa6: {  	_ =	shalt  }

</sc_bundles>
